<compile_context>
chip_gen: v7x
topology: tpu7x:2x2x1
jax: 0.10.2.dev20260603
libtpu: 0.0.44.dev20260713+nightly
codegen_flags: <defaults>
</compile_context>

<pallas_src>
import jax
import jax.numpy as jnp
from jax.experimental import pallas as pl
from jax.experimental.pallas import tpu as pltpu
from jax.experimental.pallas import tpu_sc as plsc

K = 8192
D = 256
M = 16384
BM = 512
NM = M // BM
GW = 128


SLABS = ((0, 2736), (2736, 5472), (5472, 8192))


def _argmin_body(x_ref, et_ref, xsq_ref, esq_ref, iota_ref, idx_ref,
                 dsum_ref):
    xm2 = x_ref[...] * jnp.float32(-2.0)
    mm = jnp.dot(xm2, et_ref[...], preferred_element_type=jnp.float32)
    d = (xsq_ref[...] + esq_ref[...]) + mm
    carry_v = carry_i = carry_e = None
    for lo, hi in SLABS:
        ds = jax.lax.slice(d, (0, lo), (BM, hi))
        mv = jnp.min(ds, axis=1)
        iot = jax.lax.slice(iota_ref[...], (0, lo), (1, hi))
        mi = jnp.min(jnp.where(ds == mv[:, None], iot, jnp.float32(K)),
                     axis=1).astype(jnp.int32)
        if carry_v is None:
            carry_v, carry_i, carry_e = mv, mi, mv
        else:
            upd = mv < carry_v
            carry_i = jnp.where(upd, mi, carry_i)
            carry_e = jnp.where(upd, mv, carry_e)
            carry_v = jnp.where(upd, mv, carry_v)
        carry_v = carry_v.astype(jnp.bfloat16).astype(jnp.float32)
    idx_ref[0, 0, :] = carry_i
    dsum_ref[0, 0, 0] = jnp.sum(carry_e)


def _distance_argmin(flat_x, et, xsq, esq, iotaf):
    return pl.pallas_call(
        _argmin_body,
        grid=(NM,),
        in_specs=[
            pl.BlockSpec((BM, D), lambda i: (i, 0)),
            pl.BlockSpec((D, K), lambda i: (0, 0)),
            pl.BlockSpec((BM, 1), lambda i: (i, 0)),
            pl.BlockSpec((1, K), lambda i: (0, 0)),
            pl.BlockSpec((1, K), lambda i: (0, 0)),
        ],
        out_specs=[
            pl.BlockSpec((1, 1, BM), lambda i: (i, 0, 0)),
            pl.BlockSpec(block_shape=(1, 1, 1), index_map=lambda i: (i, 0, 0),
                         memory_space=pltpu.SMEM),
        ],
        out_shape=[
            jax.ShapeDtypeStruct((NM, 1, BM), jnp.int32),
            jax.ShapeDtypeStruct((NM, 1, 1), jnp.float32),
        ],
        compiler_params=pltpu.CompilerParams(
            dimension_semantics=("parallel",)),
    )(flat_x, et, xsq, esq, iotaf)


def _sc_gather(embeddings, idx2d, out_shape):
    mesh = plsc.VectorSubcoreMesh(core_axis_name="core",
                                  subcore_axis_name="subcore")
    rows_per_batch = out_shape[1]

    @pl.kernel(out_type=jax.ShapeDtypeStruct(out_shape, jnp.float32),
               mesh=mesh)
    def gather_kernel(e_hbm, i_hbm, o_hbm):
        def body(i_vmem, o_vmem):
            pltpu.sync_copy(e_hbm.at[i_vmem.at[0]], o_vmem.at[0])

        blocks_per_batch = rows_per_batch // GW
        pltpu.emit_pipeline(
            body,
            grid=(out_shape[0] * blocks_per_batch,),
            in_specs=[pl.BlockSpec((1, GW), index_map=lambda i: (0, i))],
            out_specs=[pl.BlockSpec(
                (1, GW, D),
                index_map=lambda i: (i // blocks_per_batch,
                                     i % blocks_per_batch, 0))],
            core_axis_name=("core", "subcore"),
            dimension_semantics=(pltpu.PARALLEL,),
        )(i_hbm, o_hbm)

    return gather_kernel(embeddings, idx2d)


def kernel(x, embeddings):
    flat_x = x.reshape(-1, D)
    xsq = jnp.sum(flat_x ** 2, axis=1, keepdims=True)
    esq = jnp.sum(embeddings ** 2, axis=1).reshape(1, K)
    et = embeddings.T

    iotaf = jnp.arange(K, dtype=jnp.float32).reshape(1, K)
    idx3d, dsum = _distance_argmin(flat_x, et, xsq, esq, iotaf)
    encoding_indices = idx3d.reshape(M)

    quantized = _sc_gather(embeddings, encoding_indices.reshape(1, M),
                           x.shape)
    loss = jnp.sum(dsum) * jnp.float32(1.25 / (M * D))
    return (quantized, loss, encoding_indices)

# --- scband reference (transcript-rebuilt; emitter-appended) ---
"""Pipeline reference for scband-vector-quantizer-25486335935226 (READ-ONLY COPY).

The authoritative reference and input builder live on the scoring server;
editing this copy changes nothing except your own understanding.
"""

import jax, jax.numpy as jnp
import numpy as np

NUM_EMBEDDINGS = 8192
EMBEDDING_DIM = 256
COMMITMENT_COST = 0.25

def setup_inputs(seed: int = 0) -> dict:
    key = jax.random.key(seed)
    kx, ke = jax.random.split(key)
    x = jax.random.normal(kx, (16, 1024, 256), dtype=jnp.float32)
    # xavier_uniform init for embeddings [K, D]
    fan_in, fan_out = EMBEDDING_DIM, NUM_EMBEDDINGS
    limit = float(np.sqrt(6.0 / (fan_in + fan_out)))
    embeddings = jax.random.uniform(ke, (NUM_EMBEDDINGS, EMBEDDING_DIM), dtype=jnp.float32, minval=-limit, maxval=limit)
    return {"x": x, "embeddings": embeddings}

def reference(x, embeddings):
    flat_x = x.reshape(-1, EMBEDDING_DIM)
    distances = (jnp.sum(flat_x ** 2, axis=1, keepdims=True)
                 + jnp.sum(embeddings ** 2, axis=1)
                 - 2.0 * jnp.matmul(flat_x, embeddings.T))
    encoding_indices = jnp.argmin(distances, axis=1)
    # one-hot @ embeddings == gather of codebook rows (same math)
    quantized = jnp.take(embeddings, encoding_indices, axis=0)
    quantized = quantized.reshape(x.shape)
    # eval-mode forward (no EMA buffer updates)
    e_latent_loss = jnp.mean((jax.lax.stop_gradient(quantized) - x) ** 2)
    q_latent_loss = jnp.mean((quantized - jax.lax.stop_gradient(x)) ** 2)
    loss = q_latent_loss + COMMITMENT_COST * e_latent_loss
    quantized_st = x + jax.lax.stop_gradient(quantized - x)
    return (quantized_st, loss, encoding_indices)

if __name__ == "__main__":
    import jax
    _d = setup_inputs()
    print(jax.jit(kernel)(*tuple(_d.values())))

</pallas_src>

<mosaic_0001>
#map = affine_map<(d0, d1) -> (0, 0)>
#map1 = affine_map<(d0, d1) -> (0, 0, 0)>
module attributes {stable_mosaic.version = 14 : i64} {
  func.func @gather_kernel(%arg0: i32, %arg1: i32, %arg2: memref<8192x256xf32, #tpu.memory_space<hbm>>, %arg3: memref<1x16384xi32, #tpu.memory_space<hbm>>, %arg4: memref<16x1024x256xf32, #tpu.memory_space<hbm>>) attributes {dimension_semantics = [#tpu.dimension_semantics<core_parallel>, #tpu.dimension_semantics<subcore_parallel>], iteration_bounds = array<i64: 2, 16>, scalar_prefetch = 0 : i64, scratch_operands = 0 : i64, tpu.core_type = #tpu.core_type<sc_vector_subcore>, window_params = [{transform_indices = #map}, {transform_indices = #map}, {transform_indices = #map1}]} {
    %mul3A = arith.constant 1 : i32
    %mul3A_0 = arith.muli %arg1, %mul3A : i32
    %add3A = arith.constant 0 : i32
    %add3A_1 = arith.addi %add3A, %mul3A_0 : i32
    %mul3A_2 = arith.constant 16 : i32
    %mul3A_3 = arith.muli %arg0, %mul3A_2 : i32
    %add3A_4 = arith.addi %add3A_1, %mul3A_3 : i32
    %mul3A_5 = arith.constant 4 : i32
    %mul3A_6 = arith.muli %add3A_4, %mul3A_5 : i32
    "tpu.region"() ({
      %run_scoped3A = memref.alloca() : memref<2x1x128xi32, #tpu.memory_space<vmem>>
      %run_scoped3A_7 = tpu.sem_alloc : memref<2x!tpu.dma_semaphore, #tpu.memory_space<semaphore_mem>>
      %run_scoped3A_8 = memref.alloca() : memref<2x1x128x256xf32, #tpu.memory_space<vmem>>
      %run_scoped3A_9 = tpu.sem_alloc : memref<2x!tpu.dma_semaphore, #tpu.memory_space<semaphore_mem>>
      %add3A_10 = arith.constant 0 : i32
      %add3A_11 = arith.addi %add3A_10, %mul3A_6 : i32
      %select_n3A = arith.constant true
      %select_n3A_12 = arith.constant 0 : i32
      %select_n3A_13 = arith.constant -1 : i32
      %select_n3A_14 = arith.select %select_n3A, %select_n3A_13, %select_n3A_12 : i32
      %eq3A = arith.constant -1 : i32
      %eq3A_15 = arith.cmpi eq, %select_n3A_14, %eq3A : i32
      %select_n3A_16 = arith.constant 3 : i32
      %select_n3A_17 = arith.select %eq3A_15, %select_n3A_16, %select_n3A_14 : i32
      %add3A_18 = arith.addi %select_n3A_17, %mul3A_6 : i32
      %select_n3A_19 = arith.constant true
      %select_n3A_20 = arith.constant 0 : i32
      %select_n3A_21 = arith.constant 1 : i32
      %select_n3A_22 = arith.select %select_n3A_19, %select_n3A_21, %select_n3A_20 : i32
      %eq3A_23 = arith.constant 4 : i32
      %eq3A_24 = arith.cmpi eq, %select_n3A_22, %eq3A_23 : i32
      %select_n3A_25 = arith.constant 0 : i32
      %select_n3A_26 = arith.select %eq3A_24, %select_n3A_25, %select_n3A_22 : i32
      %add3A_27 = arith.addi %select_n3A_26, %mul3A_6 : i32
      %add3A_28 = arith.constant 1 : i32
      %add3A_29 = arith.addi %select_n3A_26, %add3A_28 : i32
      %select_n3A_30 = arith.constant true
      %select_n3A_31 = arith.select %select_n3A_30, %add3A_29, %select_n3A_26 : i32
      %eq3A_32 = arith.constant 4 : i32
      %eq3A_33 = arith.cmpi eq, %select_n3A_31, %eq3A_32 : i32
      %select_n3A_34 = arith.constant 0 : i32
      %select_n3A_35 = arith.select %eq3A_33, %select_n3A_34, %select_n3A_31 : i32
      %add3A_36 = arith.addi %select_n3A_35, %mul3A_6 : i32
      "tpu.trace_start"() <{level = 10 : i32, message = "ep_initialize_0"}> : () -> ()
      %rem3A = arith.constant 0 : i32
      %rem3A_37 = arith.constant 2 : i32
      %rem3A_38 = arith.remui %rem3A, %rem3A_37 : i32
      %mul3A_39 = arith.constant 128 : i32
      %mul3A_40 = arith.muli %mul3A_39, %add3A_11 : i32
      %dma_start3A = arith.constant 0 : i32
      %dma_start3A_41 = arith.constant 0 : i32
      %dma_start3A_42 = tpu.memref_slice %run_scoped3A[%rem3A_38, %dma_start3A, %dma_start3A_41] : memref<2x1x128xi32, #tpu.memory_space<vmem>> -> memref<1x1x128xi32, #tpu.memory_space<vmem>>
      %dma_start3A_43 = tpu.memref_squeeze %dma_start3A_42 : memref<1x1x128xi32, #tpu.memory_space<vmem>> -> memref<1x128xi32, #tpu.memory_space<vmem>>
      %dma_start3A_44 = arith.constant 0 : i32
      %dma_start3A_45 = tpu.memref_slice %arg3[%dma_start3A_44, %mul3A_40] : memref<1x16384xi32, #tpu.memory_space<hbm>> -> memref<1x128xi32, #tpu.memory_space<hbm>>
      %dma_start3A_46 = tpu.memref_slice %run_scoped3A_7[%rem3A_38] : memref<2x!tpu.dma_semaphore, #tpu.memory_space<semaphore_mem>> -> memref<1x!tpu.dma_semaphore, #tpu.memory_space<semaphore_mem>>
      %dma_start3A_47 = tpu.memref_squeeze %dma_start3A_46 : memref<1x!tpu.dma_semaphore, #tpu.memory_space<semaphore_mem>> -> memref<!tpu.dma_semaphore, #tpu.memory_space<semaphore_mem>>
      %dma_start3A_48 = arith.constant 0 : i32
      %dma_start3A_49 = arith.constant 0 : i32
      %dma_start3A_50 = tpu.memref_slice %run_scoped3A[%rem3A_38, %dma_start3A_48, %dma_start3A_49] : memref<2x1x128xi32, #tpu.memory_space<vmem>> -> memref<1x1x128xi32, #tpu.memory_space<vmem>>
      %dma_start3A_51 = tpu.memref_squeeze %dma_start3A_50 : memref<1x1x128xi32, #tpu.memory_space<vmem>> -> memref<1x128xi32, #tpu.memory_space<vmem>>
      %dma_start3A_52 = arith.constant 0 : i32
      %dma_start3A_53 = tpu.memref_slice %arg3[%dma_start3A_52, %mul3A_40] : memref<1x16384xi32, #tpu.memory_space<hbm>> -> memref<1x128xi32, #tpu.memory_space<hbm>>
      tpu.enqueue_dma source(%dma_start3A_53 : memref<1x128xi32, #tpu.memory_space<hbm>>) target(%dma_start3A_51 : memref<1x128xi32, #tpu.memory_space<vmem>>) target_semaphore(%dma_start3A_47 : memref<!tpu.dma_semaphore, #tpu.memory_space<semaphore_mem>>)
      %add3A_54 = arith.constant 0 : i32
      %add3A_55 = arith.constant 1 : i32
      %add3A_56 = arith.addi %add3A_54, %add3A_55 : i32
      %select_n3A_57 = arith.constant true
      %select_n3A_58 = arith.constant 0 : i32
      %select_n3A_59 = arith.select %select_n3A_57, %add3A_56, %select_n3A_58 : i32
      "tpu.trace_stop"() : () -> ()
      %scan3A = arith.constant 0 : i32
      %scan3A_60 = arith.constant 0 : i32
      %scan3A_61 = arith.constant 0 : i32
      %scan3A_62 = arith.constant 0 : i32
      %scan3A_63 = arith.constant 0 : i32
      %scan3A_64 = arith.constant 4 : i32
      %scan3A_65 = arith.addi %scan3A_63, %scan3A_64 : i32
      %scan3A_66 = arith.constant 1 : i32
      %scan3A_67:5 = scf.for %scan3A_159 = %scan3A_63 to %scan3A_65 step %scan3A_66 iter_args(%scan3A_160 = %select_n3A_59, %scan3A_161 = %scan3A, %scan3A_162 = %scan3A_60, %scan3A_163 = %scan3A_61, %scan3A_164 = %scan3A_62) -> (i32, i32, i32, i32, i32)  : i32 {
        %eq3A_165 = arith.constant 0 : i32
        %eq3A_166 = arith.cmpi eq, %scan3A_159, %eq3A_165 : i32
        %eq3A_167 = arith.constant 3 : i32
        %eq3A_168 = arith.cmpi eq, %scan3A_159, %eq3A_167 : i32
        %add3A_169 = arith.addi %scan3A_164, %mul3A_6 : i32
        %sub3A_170 = arith.constant 1 : i32
        %sub3A_171 = arith.subi %scan3A_164, %sub3A_170 : i32
        %select_n3A_172 = arith.constant true
        %select_n3A_173 = arith.select %select_n3A_172, %sub3A_171, %scan3A_164 : i32
        %eq3A_174 = arith.constant -1 : i32
        %eq3A_175 = arith.cmpi eq, %select_n3A_173, %eq3A_174 : i32
        %select_n3A_176 = arith.constant 3 : i32
        %select_n3A_177 = arith.select %eq3A_175, %select_n3A_176, %select_n3A_173 : i32
        %add3A_178 = arith.addi %select_n3A_177, %mul3A_6 : i32
        %add3A_179 = arith.constant 1 : i32
        %add3A_180 = arith.addi %scan3A_164, %add3A_179 : i32
        %select_n3A_181 = arith.constant true
        %select_n3A_182 = arith.select %select_n3A_181, %add3A_180, %scan3A_164 : i32
        %eq3A_183 = arith.constant 4 : i32
        %eq3A_184 = arith.cmpi eq, %select_n3A_182, %eq3A_183 : i32
        %select_n3A_185 = arith.constant 0 : i32
        %select_n3A_186 = arith.select %eq3A_184, %select_n3A_185, %select_n3A_182 : i32
        %add3A_187 = arith.addi %select_n3A_186, %mul3A_6 : i32
        %add3A_188 = arith.constant 1 : i32
        %add3A_189 = arith.addi %select_n3A_186, %add3A_188 : i32
        %select_n3A_190 = arith.constant true
        %select_n3A_191 = arith.select %select_n3A_190, %add3A_189, %select_n3A_186 : i32
        %eq3A_192 = arith.constant 4 : i32
        %eq3A_193 = arith.cmpi eq, %select_n3A_191, %eq3A_192 : i32
        %select_n3A_194 = arith.constant 0 : i32
        %select_n3A_195 = arith.select %eq3A_193, %select_n3A_194, %select_n3A_191 : i32
        %add3A_196 = arith.addi %select_n3A_195, %mul3A_6 : i32
        %ne3A_197 = arith.cmpi ne, %add3A_169, %add3A_187 : i32
        %or3A = arith.constant false
        %or3A_198 = arith.ori %or3A, %ne3A_197 : i1
        %ge3A = arith.constant 3 : i32
        %ge3A_199 = arith.cmpi sge, %scan3A_159, %ge3A : i32
        %not3A = arith.constant true
        %not3A_200 = arith.xori %ge3A_199, %not3A : i1
        %and3A_201 = arith.andi %or3A_198, %not3A_200 : i1
        %convert_element_type3A = arith.extui %and3A_201 : i1 to i32
        %cond3A = arith.constant 0 : i32
        %cond3A_202 = arith.cmpi ne, %convert_element_type3A, %cond3A : i32
        scf.if %cond3A_202 {
          "tpu.trace_start"() <{level = 10 : i32, message = "ep_copy_in"}> : () -> ()
          %rem3A_633 = arith.constant 2 : i32
          %rem3A_634 = arith.remui %scan3A_160, %rem3A_633 : i32
          %mul3A_635 = arith.constant 128 : i32
          %mul3A_636 = arith.muli %mul3A_635, %add3A_187 : i32
          %dma_start3A_637 = arith.constant 0 : i32
          %dma_start3A_638 = arith.constant 0 : i32
          %dma_start3A_639 = tpu.memref_slice %run_scoped3A[%rem3A_634, %dma_start3A_637, %dma_start3A_638] : memref<2x1x128xi32, #tpu.memory_space<vmem>> -> memref<1x1x128xi32, #tpu.memory_space<vmem>>
          %dma_start3A_640 = tpu.memref_squeeze %dma_start3A_639 : memref<1x1x128xi32, #tpu.memory_space<vmem>> -> memref<1x128xi32, #tpu.memory_space<vmem>>
          %dma_start3A_641 = arith.constant 0 : i32
          %dma_start3A_642 = tpu.memref_slice %arg3[%dma_start3A_641, %mul3A_636] : memref<1x16384xi32, #tpu.memory_space<hbm>> -> memref<1x128xi32, #tpu.memory_space<hbm>>
          %dma_start3A_643 = tpu.memref_slice %run_scoped3A_7[%rem3A_634] : memref<2x!tpu.dma_semaphore, #tpu.memory_space<semaphore_mem>> -> memref<1x!tpu.dma_semaphore, #tpu.memory_space<semaphore_mem>>
          %dma_start3A_644 = tpu.memref_squeeze %dma_start3A_643 : memref<1x!tpu.dma_semaphore, #tpu.memory_space<semaphore_mem>> -> memref<!tpu.dma_semaphore, #tpu.memory_space<semaphore_mem>>
          %dma_start3A_645 = arith.constant 0 : i32
          %dma_start3A_646 = arith.constant 0 : i32
          %dma_start3A_647 = tpu.memref_slice %run_scoped3A[%rem3A_634, %dma_start3A_645, %dma_start3A_646] : memref<2x1x128xi32, #tpu.memory_space<vmem>> -> memref<1x1x128xi32, #tpu.memory_space<vmem>>
          %dma_start3A_648 = tpu.memref_squeeze %dma_start3A_647 : memref<1x1x128xi32, #tpu.memory_space<vmem>> -> memref<1x128xi32, #tpu.memory_space<vmem>>
          %dma_start3A_649 = arith.constant 0 : i32
          %dma_start3A_650 = tpu.memref_slice %arg3[%dma_start3A_649, %mul3A_636] : memref<1x16384xi32, #tpu.memory_space<hbm>> -> memref<1x128xi32, #tpu.memory_space<hbm>>
          tpu.enqueue_dma source(%dma_start3A_650 : memref<1x128xi32, #tpu.memory_space<hbm>>) target(%dma_start3A_648 : memref<1x128xi32, #tpu.memory_space<vmem>>) target_semaphore(%dma_start3A_644 : memref<!tpu.dma_semaphore, #tpu.memory_space<semaphore_mem>>)
          "tpu.trace_stop"() : () -> ()
        } else {
        }
        %and3A_203 = arith.constant true
        %and3A_204 = arith.andi %and3A_201, %and3A_203 : i1
        %add3A_205 = arith.constant 1 : i32
        %add3A_206 = arith.addi %scan3A_160, %add3A_205 : i32
        %select_n3A_207 = arith.select %and3A_204, %add3A_206, %scan3A_160 : i32
        %jit3A_208 = arith.constant 8 : i32
        %div3A_209 = arith.divsi %add3A_169, %jit3A_208 : i32
        %sign3A_210 = arith.constant 0 : i32
        %sign3A_211 = arith.cmpi sgt, %add3A_169, %sign3A_210 : i32
        %sign3A_212 = arith.extui %sign3A_211 : i1 to i32
        %sign3A_213 = arith.constant 0 : i32
        %sign3A_214 = arith.cmpi slt, %add3A_169, %sign3A_213 : i32
        %sign3A_215 = arith.extui %sign3A_214 : i1 to i32
        %sign3A_216 = arith.subi %sign3A_212, %sign3A_215 : i32
        %sign3A_217 = arith.constant 0 : i32
        %sign3A_218 = arith.cmpi sgt, %jit3A_208, %sign3A_217 : i32
        %sign3A_219 = arith.extui %sign3A_218 : i1 to i32
        %sign3A_220 = arith.constant 0 : i32
        %sign3A_221 = arith.cmpi slt, %jit3A_208, %sign3A_220 : i32
        %sign3A_222 = arith.extui %sign3A_221 : i1 to i32
        %sign3A_223 = arith.subi %sign3A_219, %sign3A_222 : i32
        %ne3A_224 = arith.cmpi ne, %sign3A_216, %sign3A_223 : i32
        %rem3A_225 = arith.remsi %add3A_169, %jit3A_208 : i32
        %ne3A_226 = arith.constant 0 : i32
        %ne3A_227 = arith.cmpi ne, %rem3A_225, %ne3A_226 : i32
        %and3A_228 = arith.andi %ne3A_224, %ne3A_227 : i1
        %sub3A_229 = arith.constant 1 : i32
        %sub3A_230 = arith.subi %div3A_209, %sub3A_229 : i32
        %select_n3A_231 = arith.select %and3A_228, %sub3A_230, %div3A_209 : i32
        %jit3A_232 = arith.constant 8 : i32
        %eq3A_233 = arith.constant 0 : i32
        %eq3A_234 = arith.cmpi eq, %jit3A_232, %eq3A_233 : i32
        %jit3A_235 = arith.constant 1 : i32
        %select_n3A_236 = arith.select %eq3A_234, %jit3A_235, %jit3A_232 : i32
        %rem3A_237 = arith.remsi %add3A_169, %select_n3A_236 : i32
        %ne3A_238 = arith.constant 0 : i32
        %ne3A_239 = arith.cmpi ne, %rem3A_237, %ne3A_238 : i32
        %lt3A_240 = arith.constant 0 : i32
        %lt3A_241 = arith.cmpi slt, %rem3A_237, %lt3A_240 : i32
        %lt3A_242 = arith.constant 0 : i32
        %lt3A_243 = arith.cmpi slt, %select_n3A_236, %lt3A_242 : i32
        %ne3A_244 = arith.xori %lt3A_241, %lt3A_243 : i1
        %and3A_245 = arith.andi %ne3A_244, %ne3A_239 : i1
        %add3A_246 = arith.addi %rem3A_237, %select_n3A_236 : i32
        %select_n3A_247 = arith.select %and3A_245, %add3A_246, %rem3A_237 : i32
        %jit3A_248 = arith.constant 8 : i32
        %div3A_249 = arith.divsi %add3A_187, %jit3A_248 : i32
        %sign3A_250 = arith.constant 0 : i32
        %sign3A_251 = arith.cmpi sgt, %add3A_187, %sign3A_250 : i32
        %sign3A_252 = arith.extui %sign3A_251 : i1 to i32
        %sign3A_253 = arith.constant 0 : i32
        %sign3A_254 = arith.cmpi slt, %add3A_187, %sign3A_253 : i32
        %sign3A_255 = arith.extui %sign3A_254 : i1 to i32
        %sign3A_256 = arith.subi %sign3A_252, %sign3A_255 : i32
        %sign3A_257 = arith.constant 0 : i32
        %sign3A_258 = arith.cmpi sgt, %jit3A_248, %sign3A_257 : i32
        %sign3A_259 = arith.extui %sign3A_258 : i1 to i32
        %sign3A_260 = arith.constant 0 : i32
        %sign3A_261 = arith.cmpi slt, %jit3A_248, %sign3A_260 : i32
        %sign3A_262 = arith.extui %sign3A_261 : i1 to i32
        %sign3A_263 = arith.subi %sign3A_259, %sign3A_262 : i32
        %ne3A_264 = arith.cmpi ne, %sign3A_256, %sign3A_263 : i32
        %rem3A_265 = arith.remsi %add3A_187, %jit3A_248 : i32
        %ne3A_266 = arith.constant 0 : i32
        %ne3A_267 = arith.cmpi ne, %rem3A_265, %ne3A_266 : i32
        %and3A_268 = arith.andi %ne3A_264, %ne3A_267 : i1
        %sub3A_269 = arith.constant 1 : i32
        %sub3A_270 = arith.subi %div3A_249, %sub3A_269 : i32
        %select_n3A_271 = arith.select %and3A_268, %sub3A_270, %div3A_249 : i32
        %jit3A_272 = arith.constant 8 : i32
        %eq3A_273 = arith.constant 0 : i32
        %eq3A_274 = arith.cmpi eq, %jit3A_272, %eq3A_273 : i32
        %jit3A_275 = arith.constant 1 : i32
        %select_n3A_276 = arith.select %eq3A_274, %jit3A_275, %jit3A_272 : i32
        %rem3A_277 = arith.remsi %add3A_187, %select_n3A_276 : i32
        %ne3A_278 = arith.constant 0 : i32
        %ne3A_279 = arith.cmpi ne, %rem3A_277, %ne3A_278 : i32
        %lt3A_280 = arith.constant 0 : i32
        %lt3A_281 = arith.cmpi slt, %rem3A_277, %lt3A_280 : i32
        %lt3A_282 = arith.constant 0 : i32
        %lt3A_283 = arith.cmpi slt, %select_n3A_276, %lt3A_282 : i32
        %ne3A_284 = arith.xori %lt3A_281, %lt3A_283 : i1
        %and3A_285 = arith.andi %ne3A_284, %ne3A_279 : i1
        %add3A_286 = arith.addi %rem3A_277, %select_n3A_276 : i32
        %select_n3A_287 = arith.select %and3A_285, %add3A_286, %rem3A_277 : i32
        %ne3A_288 = arith.cmpi ne, %select_n3A_231, %select_n3A_271 : i32
        %ne3A_289 = arith.cmpi ne, %select_n3A_247, %select_n3A_287 : i32
        %or3A_290 = arith.constant false
        %or3A_291 = arith.ori %or3A_290, %ne3A_288 : i1
        %or3A_292 = arith.ori %or3A_291, %ne3A_289 : i1
        %or3A_293 = arith.constant false
        %or3A_294 = arith.ori %or3A_292, %or3A_293 : i1
        %ge3A_295 = arith.constant 3 : i32
        %ge3A_296 = arith.cmpi sge, %scan3A_159, %ge3A_295 : i32
        %not3A_297 = arith.constant true
        %not3A_298 = arith.xori %ge3A_296, %not3A_297 : i1
        %and3A_299 = arith.andi %or3A_294, %not3A_298 : i1
        %ne3A_300 = arith.cmpi ne, %add3A_169, %add3A_178 : i32
        %or3A_301 = arith.constant false
        %or3A_302 = arith.ori %or3A_301, %ne3A_300 : i1
        %or3A_303 = arith.ori %or3A_302, %eq3A_166 : i1
        %convert_element_type3A_304 = arith.extui %or3A_303 : i1 to i32
        %cond3A_305 = arith.constant 0 : i32
        %cond3A_306 = arith.cmpi ne, %convert_element_type3A_304, %cond3A_305 : i32
        scf.if %cond3A_306 {
          "tpu.trace_start"() <{level = 10 : i32, message = "ep_wait_in"}> : () -> ()
          %mul3A_633 = arith.constant 128 : i32
          %mul3A_634 = arith.muli %mul3A_633, %add3A_169 : i32
          %rem3A_635 = arith.constant 2 : i32
          %rem3A_636 = arith.remui %scan3A_161, %rem3A_635 : i32
          %dma_wait3A_637 = arith.constant 0 : i32
          %dma_wait3A_638 = arith.constant 0 : i32
          %dma_wait3A_639 = tpu.memref_slice %run_scoped3A[%rem3A_636, %dma_wait3A_637, %dma_wait3A_638] : memref<2x1x128xi32, #tpu.memory_space<vmem>> -> memref<1x1x128xi32, #tpu.memory_space<vmem>>
          %dma_wait3A_640 = tpu.memref_squeeze %dma_wait3A_639 : memref<1x1x128xi32, #tpu.memory_space<vmem>> -> memref<1x128xi32, #tpu.memory_space<vmem>>
          %dma_wait3A_641 = arith.constant 0 : i32
          %dma_wait3A_642 = tpu.memref_slice %arg3[%dma_wait3A_641, %mul3A_634] : memref<1x16384xi32, #tpu.memory_space<hbm>> -> memref<1x128xi32, #tpu.memory_space<hbm>>
          %dma_wait3A_643 = tpu.memref_slice %run_scoped3A_7[%rem3A_636] : memref<2x!tpu.dma_semaphore, #tpu.memory_space<semaphore_mem>> -> memref<1x!tpu.dma_semaphore, #tpu.memory_space<semaphore_mem>>
          %dma_wait3A_644 = tpu.memref_squeeze %dma_wait3A_643 : memref<1x!tpu.dma_semaphore, #tpu.memory_space<semaphore_mem>> -> memref<!tpu.dma_semaphore, #tpu.memory_space<semaphore_mem>>
          %dma_wait3A_645 = arith.constant 0 : i32
          %dma_wait3A_646 = arith.constant 0 : i32
          %dma_wait3A_647 = tpu.memref_slice %run_scoped3A[%rem3A_636, %dma_wait3A_645, %dma_wait3A_646] : memref<2x1x128xi32, #tpu.memory_space<vmem>> -> memref<1x1x128xi32, #tpu.memory_space<vmem>>
          %dma_wait3A_648 = tpu.memref_squeeze %dma_wait3A_647 : memref<1x1x128xi32, #tpu.memory_space<vmem>> -> memref<1x128xi32, #tpu.memory_space<vmem>>
          %dma_wait3A_649 = arith.constant 0 : i32
          %dma_wait3A_650 = tpu.memref_slice %arg3[%dma_wait3A_649, %mul3A_634] : memref<1x16384xi32, #tpu.memory_space<hbm>> -> memref<1x128xi32, #tpu.memory_space<hbm>>
          tpu.wait_dma2 semaphore(%dma_wait3A_644 : memref<!tpu.dma_semaphore, #tpu.memory_space<semaphore_mem>>) src(%dma_wait3A_650 : memref<1x128xi32, #tpu.memory_space<hbm>>) dst(%dma_wait3A_648 : memref<1x128xi32, #tpu.memory_space<vmem>>)
          "tpu.trace_stop"() : () -> ()
        } else {
        }
        %jit3A_307 = arith.constant 8 : i32
        %div3A_308 = arith.divsi %add3A_169, %jit3A_307 : i32
        %sign3A_309 = arith.constant 0 : i32
        %sign3A_310 = arith.cmpi sgt, %add3A_169, %sign3A_309 : i32
        %sign3A_311 = arith.extui %sign3A_310 : i1 to i32
        %sign3A_312 = arith.constant 0 : i32
        %sign3A_313 = arith.cmpi slt, %add3A_169, %sign3A_312 : i32
        %sign3A_314 = arith.extui %sign3A_313 : i1 to i32
        %sign3A_315 = arith.subi %sign3A_311, %sign3A_314 : i32
        %sign3A_316 = arith.constant 0 : i32
        %sign3A_317 = arith.cmpi sgt, %jit3A_307, %sign3A_316 : i32
        %sign3A_318 = arith.extui %sign3A_317 : i1 to i32
        %sign3A_319 = arith.constant 0 : i32
        %sign3A_320 = arith.cmpi slt, %jit3A_307, %sign3A_319 : i32
        %sign3A_321 = arith.extui %sign3A_320 : i1 to i32
        %sign3A_322 = arith.subi %sign3A_318, %sign3A_321 : i32
        %ne3A_323 = arith.cmpi ne, %sign3A_315, %sign3A_322 : i32
        %rem3A_324 = arith.remsi %add3A_169, %jit3A_307 : i32
        %ne3A_325 = arith.constant 0 : i32
        %ne3A_326 = arith.cmpi ne, %rem3A_324, %ne3A_325 : i32
        %and3A_327 = arith.andi %ne3A_323, %ne3A_326 : i1
        %sub3A_328 = arith.constant 1 : i32
        %sub3A_329 = arith.subi %div3A_308, %sub3A_328 : i32
        %select_n3A_330 = arith.select %and3A_327, %sub3A_329, %div3A_308 : i32
        %jit3A_331 = arith.constant 8 : i32
        %eq3A_332 = arith.constant 0 : i32
        %eq3A_333 = arith.cmpi eq, %jit3A_331, %eq3A_332 : i32
        %jit3A_334 = arith.constant 1 : i32
        %select_n3A_335 = arith.select %eq3A_333, %jit3A_334, %jit3A_331 : i32
        %rem3A_336 = arith.remsi %add3A_169, %select_n3A_335 : i32
        %ne3A_337 = arith.constant 0 : i32
        %ne3A_338 = arith.cmpi ne, %rem3A_336, %ne3A_337 : i32
        %lt3A_339 = arith.constant 0 : i32
        %lt3A_340 = arith.cmpi slt, %rem3A_336, %lt3A_339 : i32
        %lt3A_341 = arith.constant 0 : i32
        %lt3A_342 = arith.cmpi slt, %select_n3A_335, %lt3A_341 : i32
        %ne3A_343 = arith.xori %lt3A_340, %lt3A_342 : i1
        %and3A_344 = arith.andi %ne3A_343, %ne3A_338 : i1
        %add3A_345 = arith.addi %rem3A_336, %select_n3A_335 : i32
        %select_n3A_346 = arith.select %and3A_344, %add3A_345, %rem3A_336 : i32
        %jit3A_347 = arith.constant 8 : i32
        %div3A_348 = arith.divsi %add3A_178, %jit3A_347 : i32
        %sign3A_349 = arith.constant 0 : i32
        %sign3A_350 = arith.cmpi sgt, %add3A_178, %sign3A_349 : i32
        %sign3A_351 = arith.extui %sign3A_350 : i1 to i32
        %sign3A_352 = arith.constant 0 : i32
        %sign3A_353 = arith.cmpi slt, %add3A_178, %sign3A_352 : i32
        %sign3A_354 = arith.extui %sign3A_353 : i1 to i32
        %sign3A_355 = arith.subi %sign3A_351, %sign3A_354 : i32
        %sign3A_356 = arith.constant 0 : i32
        %sign3A_357 = arith.cmpi sgt, %jit3A_347, %sign3A_356 : i32
        %sign3A_358 = arith.extui %sign3A_357 : i1 to i32
        %sign3A_359 = arith.constant 0 : i32
        %sign3A_360 = arith.cmpi slt, %jit3A_347, %sign3A_359 : i32
        %sign3A_361 = arith.extui %sign3A_360 : i1 to i32
        %sign3A_362 = arith.subi %sign3A_358, %sign3A_361 : i32
        %ne3A_363 = arith.cmpi ne, %sign3A_355, %sign3A_362 : i32
        %rem3A_364 = arith.remsi %add3A_178, %jit3A_347 : i32
        %ne3A_365 = arith.constant 0 : i32
        %ne3A_366 = arith.cmpi ne, %rem3A_364, %ne3A_365 : i32
        %and3A_367 = arith.andi %ne3A_363, %ne3A_366 : i1
        %sub3A_368 = arith.constant 1 : i32
        %sub3A_369 = arith.subi %div3A_348, %sub3A_368 : i32
        %select_n3A_370 = arith.select %and3A_367, %sub3A_369, %div3A_348 : i32
        %jit3A_371 = arith.constant 8 : i32
        %eq3A_372 = arith.constant 0 : i32
        %eq3A_373 = arith.cmpi eq, %jit3A_371, %eq3A_372 : i32
        %jit3A_374 = arith.constant 1 : i32
        %select_n3A_375 = arith.select %eq3A_373, %jit3A_374, %jit3A_371 : i32
        %rem3A_376 = arith.remsi %add3A_178, %select_n3A_375 : i32
        %ne3A_377 = arith.constant 0 : i32
        %ne3A_378 = arith.cmpi ne, %rem3A_376, %ne3A_377 : i32
        %lt3A_379 = arith.constant 0 : i32
        %lt3A_380 = arith.cmpi slt, %rem3A_376, %lt3A_379 : i32
        %lt3A_381 = arith.constant 0 : i32
        %lt3A_382 = arith.cmpi slt, %select_n3A_375, %lt3A_381 : i32
        %ne3A_383 = arith.xori %lt3A_380, %lt3A_382 : i1
        %and3A_384 = arith.andi %ne3A_383, %ne3A_378 : i1
        %add3A_385 = arith.addi %rem3A_376, %select_n3A_375 : i32
        %select_n3A_386 = arith.select %and3A_384, %add3A_385, %rem3A_376 : i32
        %ne3A_387 = arith.cmpi ne, %select_n3A_330, %select_n3A_370 : i32
        %ne3A_388 = arith.cmpi ne, %select_n3A_346, %select_n3A_386 : i32
        %or3A_389 = arith.constant false
        %or3A_390 = arith.ori %or3A_389, %ne3A_387 : i1
        %or3A_391 = arith.ori %or3A_390, %ne3A_388 : i1
        %or3A_392 = arith.constant false
        %or3A_393 = arith.ori %or3A_391, %or3A_392 : i1
        %or3A_394 = arith.ori %or3A_393, %eq3A_166 : i1
        %convert_element_type3A_395 = arith.extui %or3A_394 : i1 to i32
        %cond3A_396 = arith.constant 0 : i32
        %cond3A_397 = arith.cmpi ne, %convert_element_type3A_395, %cond3A_396 : i32
        scf.if %cond3A_397 {
        } else {
        }
        %rem3A_398 = arith.constant 2 : i32
        %rem3A_399 = arith.remui %scan3A_161, %rem3A_398 : i32
        %rem3A_400 = arith.constant 2 : i32
        %rem3A_401 = arith.remui %scan3A_162, %rem3A_400 : i32
        %run_scoped3A_402 = arith.constant 0 : i32
        %run_scoped3A_403 = arith.constant 0 : i32
        "tpu.trace_start"() <{level = 10 : i32, message = "ep_run_kernel"}> : () -> ()
        "tpu.region"() ({
          %run_scoped3A_633 = tpu.sem_alloc : memref<!tpu.dma_semaphore, #tpu.memory_space<semaphore_mem>>
          %dma_start3A_634 = arith.constant 0 : i32
          %dma_start3A_635 = arith.constant 0 : i32
          %dma_start3A_636 = arith.constant 0 : i32
          %dma_start3A_637 = tpu.memref_slice %run_scoped3A_8[%rem3A_401, %dma_start3A_634, %dma_start3A_635, %dma_start3A_636] : memref<2x1x128x256xf32, #tpu.memory_space<vmem>> -> memref<1x1x128x256xf32, #tpu.memory_space<vmem>>
          %dma_start3A_638 = tpu.memref_squeeze %dma_start3A_637 : memref<1x1x128x256xf32, #tpu.memory_space<vmem>> -> memref<1x128x256xf32, #tpu.memory_space<vmem>>
          %dma_start3A_639 = arith.constant 0 : i32
          %dma_start3A_640 = arith.constant 0 : i32
          %dma_start3A_641 = tpu.memref_slice %dma_start3A_638[%run_scoped3A_403, %dma_start3A_639, %dma_start3A_640] : memref<1x128x256xf32, #tpu.memory_space<vmem>> -> memref<1x128x256xf32, #tpu.memory_space<vmem>>
          %dma_start3A_642 = tpu.memref_squeeze %dma_start3A_641 : memref<1x128x256xf32, #tpu.memory_space<vmem>> -> memref<128x256xf32, #tpu.memory_space<vmem>>
          %dma_start3A_643 = arith.constant 0 : i32
          %dma_start3A_644 = arith.constant 0 : i32
          %dma_start3A_645 = tpu.memref_slice %run_scoped3A[%rem3A_399, %dma_start3A_643, %dma_start3A_644] : memref<2x1x128xi32, #tpu.memory_space<vmem>> -> memref<1x1x128xi32, #tpu.memory_space<vmem>>
          %dma_start3A_646 = tpu.memref_squeeze %dma_start3A_645 : memref<1x1x128xi32, #tpu.memory_space<vmem>> -> memref<1x128xi32, #tpu.memory_space<vmem>>
          %dma_start3A_647 = arith.constant 0 : i32
          %dma_start3A_648 = tpu.memref_slice %dma_start3A_646[%run_scoped3A_402, %dma_start3A_647] : memref<1x128xi32, #tpu.memory_space<vmem>> -> memref<1x128xi32, #tpu.memory_space<vmem>>
          %dma_start3A_649 = tpu.memref_squeeze %dma_start3A_648 : memref<1x128xi32, #tpu.memory_space<vmem>> -> memref<128xi32, #tpu.memory_space<vmem>>
          %dma_start3A_650 = arith.constant 0 : i32
          %dma_start3A_651 = arith.constant 0 : i32
          %dma_start3A_652 = tpu.memref_slice %arg2[%dma_start3A_650, %dma_start3A_651] : memref<8192x256xf32, #tpu.memory_space<hbm>> -> memref<8192x256xf32, #tpu.memory_space<hbm>>
          tpu.enqueue_indirect_dma source(%dma_start3A_652 : memref<8192x256xf32, #tpu.memory_space<hbm>>) target(%dma_start3A_642 : memref<128x256xf32, #tpu.memory_space<vmem>>) offsets(%dma_start3A_649 : memref<128xi32, #tpu.memory_space<vmem>>) semaphore(%run_scoped3A_633 : memref<!tpu.dma_semaphore, #tpu.memory_space<semaphore_mem>>)
          %dma_wait3A_653 = arith.constant 0 : i32
          %dma_wait3A_654 = arith.constant 0 : i32
          %dma_wait3A_655 = arith.constant 0 : i32
          %dma_wait3A_656 = tpu.memref_slice %run_scoped3A_8[%rem3A_401, %dma_wait3A_653, %dma_wait3A_654, %dma_wait3A_655] : memref<2x1x128x256xf32, #tpu.memory_space<vmem>> -> memref<1x1x128x256xf32, #tpu.memory_space<vmem>>
          %dma_wait3A_657 = tpu.memref_squeeze %dma_wait3A_656 : memref<1x1x128x256xf32, #tpu.memory_space<vmem>> -> memref<1x128x256xf32, #tpu.memory_space<vmem>>
          %dma_wait3A_658 = arith.constant 0 : i32
          %dma_wait3A_659 = arith.constant 0 : i32
          %dma_wait3A_660 = tpu.memref_slice %dma_wait3A_657[%run_scoped3A_403, %dma_wait3A_658, %dma_wait3A_659] : memref<1x128x256xf32, #tpu.memory_space<vmem>> -> memref<1x128x256xf32, #tpu.memory_space<vmem>>
          %dma_wait3A_661 = tpu.memref_squeeze %dma_wait3A_660 : memref<1x128x256xf32, #tpu.memory_space<vmem>> -> memref<128x256xf32, #tpu.memory_space<vmem>>
          %dma_wait3A_662 = arith.constant 0 : i32
          %dma_wait3A_663 = arith.constant 0 : i32
          %dma_wait3A_664 = tpu.memref_slice %run_scoped3A[%rem3A_399, %dma_wait3A_662, %dma_wait3A_663] : memref<2x1x128xi32, #tpu.memory_space<vmem>> -> memref<1x1x128xi32, #tpu.memory_space<vmem>>
          %dma_wait3A_665 = tpu.memref_squeeze %dma_wait3A_664 : memref<1x1x128xi32, #tpu.memory_space<vmem>> -> memref<1x128xi32, #tpu.memory_space<vmem>>
          %dma_wait3A_666 = arith.constant 0 : i32
          %dma_wait3A_667 = tpu.memref_slice %dma_wait3A_665[%run_scoped3A_402, %dma_wait3A_666] : memref<1x128xi32, #tpu.memory_space<vmem>> -> memref<1x128xi32, #tpu.memory_space<vmem>>
          %dma_wait3A_668 = tpu.memref_squeeze %dma_wait3A_667 : memref<1x128xi32, #tpu.memory_space<vmem>> -> memref<128xi32, #tpu.memory_space<vmem>>
          %dma_wait3A_669 = arith.constant 0 : i32
          %dma_wait3A_670 = arith.constant 0 : i32
          %dma_wait3A_671 = tpu.memref_slice %arg2[%dma_wait3A_669, %dma_wait3A_670] : memref<8192x256xf32, #tpu.memory_space<hbm>> -> memref<8192x256xf32, #tpu.memory_space<hbm>>
          tpu.wait_indirect_dma semaphore(%run_scoped3A_633 : memref<!tpu.dma_semaphore, #tpu.memory_space<semaphore_mem>>) src(%dma_wait3A_671 : memref<8192x256xf32, #tpu.memory_space<hbm>>) dst(%dma_wait3A_661 : memref<128x256xf32, #tpu.memory_space<vmem>>)
          tpu.yield
        }) : () -> ()
        "tpu.trace_stop"() : () -> ()
        %ne3A_404 = arith.cmpi ne, %add3A_169, %add3A_187 : i32
        %or3A_405 = arith.constant false
        %or3A_406 = arith.ori %or3A_405, %ne3A_404 : i1
        %or3A_407 = arith.ori %or3A_406, %eq3A_168 : i1
        %convert_element_type3A_408 = arith.extui %or3A_407 : i1 to i32
        %cond3A_409 = arith.constant 0 : i32
        %cond3A_410 = arith.cmpi ne, %convert_element_type3A_408, %cond3A_409 : i32
        scf.if %cond3A_410 {
        } else {
        }
        %and3A_411 = arith.constant false
        %and3A_412 = arith.andi %or3A_407, %and3A_411 : i1
        %jit3A_413 = arith.constant 8 : i32
        %div3A_414 = arith.divsi %add3A_169, %jit3A_413 : i32
        %sign3A_415 = arith.constant 0 : i32
        %sign3A_416 = arith.cmpi sgt, %add3A_169, %sign3A_415 : i32
        %sign3A_417 = arith.extui %sign3A_416 : i1 to i32
        %sign3A_418 = arith.constant 0 : i32
        %sign3A_419 = arith.cmpi slt, %add3A_169, %sign3A_418 : i32
        %sign3A_420 = arith.extui %sign3A_419 : i1 to i32
        %sign3A_421 = arith.subi %sign3A_417, %sign3A_420 : i32
        %sign3A_422 = arith.constant 0 : i32
        %sign3A_423 = arith.cmpi sgt, %jit3A_413, %sign3A_422 : i32
        %sign3A_424 = arith.extui %sign3A_423 : i1 to i32
        %sign3A_425 = arith.constant 0 : i32
        %sign3A_426 = arith.cmpi slt, %jit3A_413, %sign3A_425 : i32
        %sign3A_427 = arith.extui %sign3A_426 : i1 to i32
        %sign3A_428 = arith.subi %sign3A_424, %sign3A_427 : i32
        %ne3A_429 = arith.cmpi ne, %sign3A_421, %sign3A_428 : i32
        %rem3A_430 = arith.remsi %add3A_169, %jit3A_413 : i32
        %ne3A_431 = arith.constant 0 : i32
        %ne3A_432 = arith.cmpi ne, %rem3A_430, %ne3A_431 : i32
        %and3A_433 = arith.andi %ne3A_429, %ne3A_432 : i1
        %sub3A_434 = arith.constant 1 : i32
        %sub3A_435 = arith.subi %div3A_414, %sub3A_434 : i32
        %select_n3A_436 = arith.select %and3A_433, %sub3A_435, %div3A_414 : i32
        %jit3A_437 = arith.constant 8 : i32
        %eq3A_438 = arith.constant 0 : i32
        %eq3A_439 = arith.cmpi eq, %jit3A_437, %eq3A_438 : i32
        %jit3A_440 = arith.constant 1 : i32
        %select_n3A_441 = arith.select %eq3A_439, %jit3A_440, %jit3A_437 : i32
        %rem3A_442 = arith.remsi %add3A_169, %select_n3A_441 : i32
        %ne3A_443 = arith.constant 0 : i32
        %ne3A_444 = arith.cmpi ne, %rem3A_442, %ne3A_443 : i32
        %lt3A_445 = arith.constant 0 : i32
        %lt3A_446 = arith.cmpi slt, %rem3A_442, %lt3A_445 : i32
        %lt3A_447 = arith.constant 0 : i32
        %lt3A_448 = arith.cmpi slt, %select_n3A_441, %lt3A_447 : i32
        %ne3A_449 = arith.xori %lt3A_446, %lt3A_448 : i1
        %and3A_450 = arith.andi %ne3A_449, %ne3A_444 : i1
        %add3A_451 = arith.addi %rem3A_442, %select_n3A_441 : i32
        %select_n3A_452 = arith.select %and3A_450, %add3A_451, %rem3A_442 : i32
        %jit3A_453 = arith.constant 8 : i32
        %div3A_454 = arith.divsi %add3A_187, %jit3A_453 : i32
        %sign3A_455 = arith.constant 0 : i32
        %sign3A_456 = arith.cmpi sgt, %add3A_187, %sign3A_455 : i32
        %sign3A_457 = arith.extui %sign3A_456 : i1 to i32
        %sign3A_458 = arith.constant 0 : i32
        %sign3A_459 = arith.cmpi slt, %add3A_187, %sign3A_458 : i32
        %sign3A_460 = arith.extui %sign3A_459 : i1 to i32
        %sign3A_461 = arith.subi %sign3A_457, %sign3A_460 : i32
        %sign3A_462 = arith.constant 0 : i32
        %sign3A_463 = arith.cmpi sgt, %jit3A_453, %sign3A_462 : i32
        %sign3A_464 = arith.extui %sign3A_463 : i1 to i32
        %sign3A_465 = arith.constant 0 : i32
        %sign3A_466 = arith.cmpi slt, %jit3A_453, %sign3A_465 : i32
        %sign3A_467 = arith.extui %sign3A_466 : i1 to i32
        %sign3A_468 = arith.subi %sign3A_464, %sign3A_467 : i32
        %ne3A_469 = arith.cmpi ne, %sign3A_461, %sign3A_468 : i32
        %rem3A_470 = arith.remsi %add3A_187, %jit3A_453 : i32
        %ne3A_471 = arith.constant 0 : i32
        %ne3A_472 = arith.cmpi ne, %rem3A_470, %ne3A_471 : i32
        %and3A_473 = arith.andi %ne3A_469, %ne3A_472 : i1
        %sub3A_474 = arith.constant 1 : i32
        %sub3A_475 = arith.subi %div3A_454, %sub3A_474 : i32
        %select_n3A_476 = arith.select %and3A_473, %sub3A_475, %div3A_454 : i32
        %jit3A_477 = arith.constant 8 : i32
        %eq3A_478 = arith.constant 0 : i32
        %eq3A_479 = arith.cmpi eq, %jit3A_477, %eq3A_478 : i32
        %jit3A_480 = arith.constant 1 : i32
        %select_n3A_481 = arith.select %eq3A_479, %jit3A_480, %jit3A_477 : i32
        %rem3A_482 = arith.remsi %add3A_187, %select_n3A_481 : i32
        %ne3A_483 = arith.constant 0 : i32
        %ne3A_484 = arith.cmpi ne, %rem3A_482, %ne3A_483 : i32
        %lt3A_485 = arith.constant 0 : i32
        %lt3A_486 = arith.cmpi slt, %rem3A_482, %lt3A_485 : i32
        %lt3A_487 = arith.constant 0 : i32
        %lt3A_488 = arith.cmpi slt, %select_n3A_481, %lt3A_487 : i32
        %ne3A_489 = arith.xori %lt3A_486, %lt3A_488 : i1
        %and3A_490 = arith.andi %ne3A_489, %ne3A_484 : i1
        %add3A_491 = arith.addi %rem3A_482, %select_n3A_481 : i32
        %select_n3A_492 = arith.select %and3A_490, %add3A_491, %rem3A_482 : i32
        %ne3A_493 = arith.cmpi ne, %select_n3A_436, %select_n3A_476 : i32
        %ne3A_494 = arith.cmpi ne, %select_n3A_452, %select_n3A_492 : i32
        %or3A_495 = arith.constant false
        %or3A_496 = arith.ori %or3A_495, %ne3A_493 : i1
        %or3A_497 = arith.ori %or3A_496, %ne3A_494 : i1
        %or3A_498 = arith.constant false
        %or3A_499 = arith.ori %or3A_497, %or3A_498 : i1
        %or3A_500 = arith.ori %or3A_499, %eq3A_168 : i1
        %convert_element_type3A_501 = arith.extui %or3A_500 : i1 to i32
        %cond3A_502 = arith.constant 0 : i32
        %cond3A_503 = arith.cmpi ne, %convert_element_type3A_501, %cond3A_502 : i32
        scf.if %cond3A_503 {
          "tpu.trace_start"() <{level = 10 : i32, message = "ep_copy_out"}> : () -> ()
          %rem3A_633 = arith.constant 2 : i32
          %rem3A_634 = arith.remui %scan3A_162, %rem3A_633 : i32
          %jit3A_635 = arith.constant 8 : i32
          %div3A_636 = arith.divsi %add3A_169, %jit3A_635 : i32
          %sign3A_637 = arith.constant 0 : i32
          %sign3A_638 = arith.cmpi sgt, %add3A_169, %sign3A_637 : i32
          %sign3A_639 = arith.extui %sign3A_638 : i1 to i32
          %sign3A_640 = arith.constant 0 : i32
          %sign3A_641 = arith.cmpi slt, %add3A_169, %sign3A_640 : i32
          %sign3A_642 = arith.extui %sign3A_641 : i1 to i32
          %sign3A_643 = arith.subi %sign3A_639, %sign3A_642 : i32
          %sign3A_644 = arith.constant 0 : i32
          %sign3A_645 = arith.cmpi sgt, %jit3A_635, %sign3A_644 : i32
          %sign3A_646 = arith.extui %sign3A_645 : i1 to i32
          %sign3A_647 = arith.constant 0 : i32
          %sign3A_648 = arith.cmpi slt, %jit3A_635, %sign3A_647 : i32
          %sign3A_649 = arith.extui %sign3A_648 : i1 to i32
          %sign3A_650 = arith.subi %sign3A_646, %sign3A_649 : i32
          %ne3A_651 = arith.cmpi ne, %sign3A_643, %sign3A_650 : i32
          %rem3A_652 = arith.remsi %add3A_169, %jit3A_635 : i32
          %ne3A_653 = arith.constant 0 : i32
          %ne3A_654 = arith.cmpi ne, %rem3A_652, %ne3A_653 : i32
          %and3A_655 = arith.andi %ne3A_651, %ne3A_654 : i1
          %sub3A_656 = arith.constant 1 : i32
          %sub3A_657 = arith.subi %div3A_636, %sub3A_656 : i32
          %select_n3A_658 = arith.select %and3A_655, %sub3A_657, %div3A_636 : i32
          %jit3A_659 = arith.constant 8 : i32
          %eq3A_660 = arith.constant 0 : i32
          %eq3A_661 = arith.cmpi eq, %jit3A_659, %eq3A_660 : i32
          %jit3A_662 = arith.constant 1 : i32
          %select_n3A_663 = arith.select %eq3A_661, %jit3A_662, %jit3A_659 : i32
          %rem3A_664 = arith.remsi %add3A_169, %select_n3A_663 : i32
          %ne3A_665 = arith.constant 0 : i32
          %ne3A_666 = arith.cmpi ne, %rem3A_664, %ne3A_665 : i32
          %lt3A_667 = arith.constant 0 : i32
          %lt3A_668 = arith.cmpi slt, %rem3A_664, %lt3A_667 : i32
          %lt3A_669 = arith.constant 0 : i32
          %lt3A_670 = arith.cmpi slt, %select_n3A_663, %lt3A_669 : i32
          %ne3A_671 = arith.xori %lt3A_668, %lt3A_670 : i1
          %and3A_672 = arith.andi %ne3A_671, %ne3A_666 : i1
          %add3A_673 = arith.addi %rem3A_664, %select_n3A_663 : i32
          %select_n3A_674 = arith.select %and3A_672, %add3A_673, %rem3A_664 : i32
          %mul3A_675 = arith.constant 1 : i32
          %mul3A_676 = arith.muli %mul3A_675, %select_n3A_658 : i32
          %mul3A_677 = arith.constant 128 : i32
          %mul3A_678 = arith.muli %mul3A_677, %select_n3A_674 : i32
          %dma_start3A_679 = arith.constant 0 : i32
          %dma_start3A_680 = arith.constant 0 : i32
          %dma_start3A_681 = arith.constant 0 : i32
          %dma_start3A_682 = tpu.memref_slice %run_scoped3A_8[%rem3A_634, %dma_start3A_679, %dma_start3A_680, %dma_start3A_681] : memref<2x1x128x256xf32, #tpu.memory_space<vmem>> -> memref<1x1x128x256xf32, #tpu.memory_space<vmem>>
          %dma_start3A_683 = tpu.memref_squeeze %dma_start3A_682 : memref<1x1x128x256xf32, #tpu.memory_space<vmem>> -> memref<1x128x256xf32, #tpu.memory_space<vmem>>
          %dma_start3A_684 = arith.constant 0 : i32
          %dma_start3A_685 = tpu.memref_slice %arg4[%mul3A_676, %mul3A_678, %dma_start3A_684] : memref<16x1024x256xf32, #tpu.memory_space<hbm>> -> memref<1x128x256xf32, #tpu.memory_space<hbm>>
          %dma_start3A_686 = tpu.memref_slice %run_scoped3A_9[%rem3A_634] : memref<2x!tpu.dma_semaphore, #tpu.memory_space<semaphore_mem>> -> memref<1x!tpu.dma_semaphore, #tpu.memory_space<semaphore_mem>>
          %dma_start3A_687 = tpu.memref_squeeze %dma_start3A_686 : memref<1x!tpu.dma_semaphore, #tpu.memory_space<semaphore_mem>> -> memref<!tpu.dma_semaphore, #tpu.memory_space<semaphore_mem>>
          %dma_start3A_688 = arith.constant 0 : i32
          %dma_start3A_689 = tpu.memref_slice %arg4[%mul3A_676, %mul3A_678, %dma_start3A_688] : memref<16x1024x256xf32, #tpu.memory_space<hbm>> -> memref<1x128x256xf32, #tpu.memory_space<hbm>>
          %dma_start3A_690 = arith.constant 0 : i32
          %dma_start3A_691 = arith.constant 0 : i32
          %dma_start3A_692 = arith.constant 0 : i32
          %dma_start3A_693 = tpu.memref_slice %run_scoped3A_8[%rem3A_634, %dma_start3A_690, %dma_start3A_691, %dma_start3A_692] : memref<2x1x128x256xf32, #tpu.memory_space<vmem>> -> memref<1x1x128x256xf32, #tpu.memory_space<vmem>>
          %dma_start3A_694 = tpu.memref_squeeze %dma_start3A_693 : memref<1x1x128x256xf32, #tpu.memory_space<vmem>> -> memref<1x128x256xf32, #tpu.memory_space<vmem>>
          tpu.enqueue_dma source(%dma_start3A_694 : memref<1x128x256xf32, #tpu.memory_space<vmem>>) target(%dma_start3A_689 : memref<1x128x256xf32, #tpu.memory_space<hbm>>) target_semaphore(%dma_start3A_687 : memref<!tpu.dma_semaphore, #tpu.memory_space<semaphore_mem>>)
          "tpu.trace_stop"() : () -> ()
        } else {
        }
        %and3A_504 = arith.constant true
        %and3A_505 = arith.andi %or3A_500, %and3A_504 : i1
        %add3A_506 = arith.constant 1 : i32
        %add3A_507 = arith.addi %scan3A_162, %add3A_506 : i32
        %select_n3A_508 = arith.select %and3A_505, %add3A_507, %scan3A_162 : i32
        %ne3A_509 = arith.cmpi ne, %add3A_169, %add3A_178 : i32
        %or3A_510 = arith.constant false
        %or3A_511 = arith.ori %or3A_510, %ne3A_509 : i1
        %not3A_512 = arith.constant true
        %not3A_513 = arith.xori %eq3A_166, %not3A_512 : i1
        %and3A_514 = arith.andi %or3A_511, %not3A_513 : i1
        %convert_element_type3A_515 = arith.extui %and3A_514 : i1 to i32
        %cond3A_516 = arith.constant 0 : i32
        %cond3A_517 = arith.cmpi ne, %convert_element_type3A_515, %cond3A_516 : i32
        scf.if %cond3A_517 {
        } else {
        }
        %and3A_518 = arith.constant false
        %and3A_519 = arith.andi %and3A_514, %and3A_518 : i1
        %jit3A_520 = arith.constant 8 : i32
        %div3A_521 = arith.divsi %add3A_169, %jit3A_520 : i32
        %sign3A_522 = arith.constant 0 : i32
        %sign3A_523 = arith.cmpi sgt, %add3A_169, %sign3A_522 : i32
        %sign3A_524 = arith.extui %sign3A_523 : i1 to i32
        %sign3A_525 = arith.constant 0 : i32
        %sign3A_526 = arith.cmpi slt, %add3A_169, %sign3A_525 : i32
        %sign3A_527 = arith.extui %sign3A_526 : i1 to i32
        %sign3A_528 = arith.subi %sign3A_524, %sign3A_527 : i32
        %sign3A_529 = arith.constant 0 : i32
        %sign3A_530 = arith.cmpi sgt, %jit3A_520, %sign3A_529 : i32
        %sign3A_531 = arith.extui %sign3A_530 : i1 to i32
        %sign3A_532 = arith.constant 0 : i32
        %sign3A_533 = arith.cmpi slt, %jit3A_520, %sign3A_532 : i32
        %sign3A_534 = arith.extui %sign3A_533 : i1 to i32
        %sign3A_535 = arith.subi %sign3A_531, %sign3A_534 : i32
        %ne3A_536 = arith.cmpi ne, %sign3A_528, %sign3A_535 : i32
        %rem3A_537 = arith.remsi %add3A_169, %jit3A_520 : i32
        %ne3A_538 = arith.constant 0 : i32
        %ne3A_539 = arith.cmpi ne, %rem3A_537, %ne3A_538 : i32
        %and3A_540 = arith.andi %ne3A_536, %ne3A_539 : i1
        %sub3A_541 = arith.constant 1 : i32
        %sub3A_542 = arith.subi %div3A_521, %sub3A_541 : i32
        %select_n3A_543 = arith.select %and3A_540, %sub3A_542, %div3A_521 : i32
        %jit3A_544 = arith.constant 8 : i32
        %eq3A_545 = arith.constant 0 : i32
        %eq3A_546 = arith.cmpi eq, %jit3A_544, %eq3A_545 : i32
        %jit3A_547 = arith.constant 1 : i32
        %select_n3A_548 = arith.select %eq3A_546, %jit3A_547, %jit3A_544 : i32
        %rem3A_549 = arith.remsi %add3A_169, %select_n3A_548 : i32
        %ne3A_550 = arith.constant 0 : i32
        %ne3A_551 = arith.cmpi ne, %rem3A_549, %ne3A_550 : i32
        %lt3A_552 = arith.constant 0 : i32
        %lt3A_553 = arith.cmpi slt, %rem3A_549, %lt3A_552 : i32
        %lt3A_554 = arith.constant 0 : i32
        %lt3A_555 = arith.cmpi slt, %select_n3A_548, %lt3A_554 : i32
        %ne3A_556 = arith.xori %lt3A_553, %lt3A_555 : i1
        %and3A_557 = arith.andi %ne3A_556, %ne3A_551 : i1
        %add3A_558 = arith.addi %rem3A_549, %select_n3A_548 : i32
        %select_n3A_559 = arith.select %and3A_557, %add3A_558, %rem3A_549 : i32
        %jit3A_560 = arith.constant 8 : i32
        %div3A_561 = arith.divsi %add3A_178, %jit3A_560 : i32
        %sign3A_562 = arith.constant 0 : i32
        %sign3A_563 = arith.cmpi sgt, %add3A_178, %sign3A_562 : i32
        %sign3A_564 = arith.extui %sign3A_563 : i1 to i32
        %sign3A_565 = arith.constant 0 : i32
        %sign3A_566 = arith.cmpi slt, %add3A_178, %sign3A_565 : i32
        %sign3A_567 = arith.extui %sign3A_566 : i1 to i32
        %sign3A_568 = arith.subi %sign3A_564, %sign3A_567 : i32
        %sign3A_569 = arith.constant 0 : i32
        %sign3A_570 = arith.cmpi sgt, %jit3A_560, %sign3A_569 : i32
        %sign3A_571 = arith.extui %sign3A_570 : i1 to i32
        %sign3A_572 = arith.constant 0 : i32
        %sign3A_573 = arith.cmpi slt, %jit3A_560, %sign3A_572 : i32
        %sign3A_574 = arith.extui %sign3A_573 : i1 to i32
        %sign3A_575 = arith.subi %sign3A_571, %sign3A_574 : i32
        %ne3A_576 = arith.cmpi ne, %sign3A_568, %sign3A_575 : i32
        %rem3A_577 = arith.remsi %add3A_178, %jit3A_560 : i32
        %ne3A_578 = arith.constant 0 : i32
        %ne3A_579 = arith.cmpi ne, %rem3A_577, %ne3A_578 : i32
        %and3A_580 = arith.andi %ne3A_576, %ne3A_579 : i1
        %sub3A_581 = arith.constant 1 : i32
        %sub3A_582 = arith.subi %div3A_561, %sub3A_581 : i32
        %select_n3A_583 = arith.select %and3A_580, %sub3A_582, %div3A_561 : i32
        %jit3A_584 = arith.constant 8 : i32
        %eq3A_585 = arith.constant 0 : i32
        %eq3A_586 = arith.cmpi eq, %jit3A_584, %eq3A_585 : i32
        %jit3A_587 = arith.constant 1 : i32
        %select_n3A_588 = arith.select %eq3A_586, %jit3A_587, %jit3A_584 : i32
        %rem3A_589 = arith.remsi %add3A_178, %select_n3A_588 : i32
        %ne3A_590 = arith.constant 0 : i32
        %ne3A_591 = arith.cmpi ne, %rem3A_589, %ne3A_590 : i32
        %lt3A_592 = arith.constant 0 : i32
        %lt3A_593 = arith.cmpi slt, %rem3A_589, %lt3A_592 : i32
        %lt3A_594 = arith.constant 0 : i32
        %lt3A_595 = arith.cmpi slt, %select_n3A_588, %lt3A_594 : i32
        %ne3A_596 = arith.xori %lt3A_593, %lt3A_595 : i1
        %and3A_597 = arith.andi %ne3A_596, %ne3A_591 : i1
        %add3A_598 = arith.addi %rem3A_589, %select_n3A_588 : i32
        %select_n3A_599 = arith.select %and3A_597, %add3A_598, %rem3A_589 : i32
        %ne3A_600 = arith.cmpi ne, %select_n3A_543, %select_n3A_583 : i32
        %ne3A_601 = arith.cmpi ne, %select_n3A_559, %select_n3A_599 : i32
        %or3A_602 = arith.constant false
        %or3A_603 = arith.ori %or3A_602, %ne3A_600 : i1
        %or3A_604 = arith.ori %or3A_603, %ne3A_601 : i1
        %or3A_605 = arith.constant false
        %or3A_606 = arith.ori %or3A_604, %or3A_605 : i1
        %not3A_607 = arith.constant true
        %not3A_608 = arith.xori %eq3A_166, %not3A_607 : i1
        %and3A_609 = arith.andi %or3A_606, %not3A_608 : i1
        %convert_element_type3A_610 = arith.extui %and3A_609 : i1 to i32
        %cond3A_611 = arith.constant 0 : i32
        %cond3A_612 = arith.cmpi ne, %convert_element_type3A_610, %cond3A_611 : i32
        scf.if %cond3A_612 {
          "tpu.trace_start"() <{level = 10 : i32, message = "ep_wait_out"}> : () -> ()
          %rem3A_633 = arith.constant 2 : i32
          %rem3A_634 = arith.remui %scan3A_163, %rem3A_633 : i32
          %jit3A_635 = arith.constant 8 : i32
          %div3A_636 = arith.divsi %add3A_178, %jit3A_635 : i32
          %sign3A_637 = arith.constant 0 : i32
          %sign3A_638 = arith.cmpi sgt, %add3A_178, %sign3A_637 : i32
          %sign3A_639 = arith.extui %sign3A_638 : i1 to i32
          %sign3A_640 = arith.constant 0 : i32
          %sign3A_641 = arith.cmpi slt, %add3A_178, %sign3A_640 : i32
          %sign3A_642 = arith.extui %sign3A_641 : i1 to i32
          %sign3A_643 = arith.subi %sign3A_639, %sign3A_642 : i32
          %sign3A_644 = arith.constant 0 : i32
          %sign3A_645 = arith.cmpi sgt, %jit3A_635, %sign3A_644 : i32
          %sign3A_646 = arith.extui %sign3A_645 : i1 to i32
          %sign3A_647 = arith.constant 0 : i32
          %sign3A_648 = arith.cmpi slt, %jit3A_635, %sign3A_647 : i32
          %sign3A_649 = arith.extui %sign3A_648 : i1 to i32
          %sign3A_650 = arith.subi %sign3A_646, %sign3A_649 : i32
          %ne3A_651 = arith.cmpi ne, %sign3A_643, %sign3A_650 : i32
          %rem3A_652 = arith.remsi %add3A_178, %jit3A_635 : i32
          %ne3A_653 = arith.constant 0 : i32
          %ne3A_654 = arith.cmpi ne, %rem3A_652, %ne3A_653 : i32
          %and3A_655 = arith.andi %ne3A_651, %ne3A_654 : i1
          %sub3A_656 = arith.constant 1 : i32
          %sub3A_657 = arith.subi %div3A_636, %sub3A_656 : i32
          %select_n3A_658 = arith.select %and3A_655, %sub3A_657, %div3A_636 : i32
          %jit3A_659 = arith.constant 8 : i32
          %eq3A_660 = arith.constant 0 : i32
          %eq3A_661 = arith.cmpi eq, %jit3A_659, %eq3A_660 : i32
          %jit3A_662 = arith.constant 1 : i32
          %select_n3A_663 = arith.select %eq3A_661, %jit3A_662, %jit3A_659 : i32
          %rem3A_664 = arith.remsi %add3A_178, %select_n3A_663 : i32
          %ne3A_665 = arith.constant 0 : i32
          %ne3A_666 = arith.cmpi ne, %rem3A_664, %ne3A_665 : i32
          %lt3A_667 = arith.constant 0 : i32
          %lt3A_668 = arith.cmpi slt, %rem3A_664, %lt3A_667 : i32
          %lt3A_669 = arith.constant 0 : i32
          %lt3A_670 = arith.cmpi slt, %select_n3A_663, %lt3A_669 : i32
          %ne3A_671 = arith.xori %lt3A_668, %lt3A_670 : i1
          %and3A_672 = arith.andi %ne3A_671, %ne3A_666 : i1
          %add3A_673 = arith.addi %rem3A_664, %select_n3A_663 : i32
          %select_n3A_674 = arith.select %and3A_672, %add3A_673, %rem3A_664 : i32
          %mul3A_675 = arith.constant 1 : i32
          %mul3A_676 = arith.muli %mul3A_675, %select_n3A_658 : i32
          %mul3A_677 = arith.constant 128 : i32
          %mul3A_678 = arith.muli %mul3A_677, %select_n3A_674 : i32
          %dma_wait3A_679 = arith.constant 0 : i32
          %dma_wait3A_680 = arith.constant 0 : i32
          %dma_wait3A_681 = arith.constant 0 : i32
          %dma_wait3A_682 = tpu.memref_slice %run_scoped3A_8[%rem3A_634, %dma_wait3A_679, %dma_wait3A_680, %dma_wait3A_681] : memref<2x1x128x256xf32, #tpu.memory_space<vmem>> -> memref<1x1x128x256xf32, #tpu.memory_space<vmem>>
          %dma_wait3A_683 = tpu.memref_squeeze %dma_wait3A_682 : memref<1x1x128x256xf32, #tpu.memory_space<vmem>> -> memref<1x128x256xf32, #tpu.memory_space<vmem>>
          %dma_wait3A_684 = arith.constant 0 : i32
          %dma_wait3A_685 = tpu.memref_slice %arg4[%mul3A_676, %mul3A_678, %dma_wait3A_684] : memref<16x1024x256xf32, #tpu.memory_space<hbm>> -> memref<1x128x256xf32, #tpu.memory_space<hbm>>
          %dma_wait3A_686 = tpu.memref_slice %run_scoped3A_9[%rem3A_634] : memref<2x!tpu.dma_semaphore, #tpu.memory_space<semaphore_mem>> -> memref<1x!tpu.dma_semaphore, #tpu.memory_space<semaphore_mem>>
          %dma_wait3A_687 = tpu.memref_squeeze %dma_wait3A_686 : memref<1x!tpu.dma_semaphore, #tpu.memory_space<semaphore_mem>> -> memref<!tpu.dma_semaphore, #tpu.memory_space<semaphore_mem>>
          %dma_wait3A_688 = arith.constant 0 : i32
          %dma_wait3A_689 = tpu.memref_slice %arg4[%mul3A_676, %mul3A_678, %dma_wait3A_688] : memref<16x1024x256xf32, #tpu.memory_space<hbm>> -> memref<1x128x256xf32, #tpu.memory_space<hbm>>
          %dma_wait3A_690 = arith.constant 0 : i32
          %dma_wait3A_691 = arith.constant 0 : i32
          %dma_wait3A_692 = arith.constant 0 : i32
          %dma_wait3A_693 = tpu.memref_slice %run_scoped3A_8[%rem3A_634, %dma_wait3A_690, %dma_wait3A_691, %dma_wait3A_692] : memref<2x1x128x256xf32, #tpu.memory_space<vmem>> -> memref<1x1x128x256xf32, #tpu.memory_space<vmem>>
          %dma_wait3A_694 = tpu.memref_squeeze %dma_wait3A_693 : memref<1x1x128x256xf32, #tpu.memory_space<vmem>> -> memref<1x128x256xf32, #tpu.memory_space<vmem>>
          tpu.wait_dma2 semaphore(%dma_wait3A_687 : memref<!tpu.dma_semaphore, #tpu.memory_space<semaphore_mem>>) src(%dma_wait3A_694 : memref<1x128x256xf32, #tpu.memory_space<vmem>>) dst(%dma_wait3A_689 : memref<1x128x256xf32, #tpu.memory_space<hbm>>)
          "tpu.trace_stop"() : () -> ()
        } else {
        }
        %and3A_613 = arith.constant true
        %and3A_614 = arith.andi %and3A_609, %and3A_613 : i1
        %add3A_615 = arith.constant 1 : i32
        %add3A_616 = arith.addi %scan3A_163, %add3A_615 : i32
        %select_n3A_617 = arith.select %and3A_614, %add3A_616, %scan3A_163 : i32
        %ne3A_618 = arith.cmpi ne, %add3A_169, %add3A_187 : i32
        %or3A_619 = arith.constant false
        %or3A_620 = arith.ori %or3A_619, %ne3A_618 : i1
        %or3A_621 = arith.ori %or3A_620, %eq3A_168 : i1
        %add3A_622 = arith.constant 1 : i32
        %add3A_623 = arith.addi %scan3A_161, %add3A_622 : i32
        %select_n3A_624 = arith.select %or3A_621, %add3A_623, %scan3A_161 : i32
        %add3A_625 = arith.constant 1 : i32
        %add3A_626 = arith.addi %scan3A_164, %add3A_625 : i32
        %select_n3A_627 = arith.constant true
        %select_n3A_628 = arith.select %select_n3A_627, %add3A_626, %scan3A_164 : i32
        %eq3A_629 = arith.constant 4 : i32
        %eq3A_630 = arith.cmpi eq, %select_n3A_628, %eq3A_629 : i32
        %select_n3A_631 = arith.constant 0 : i32
        %select_n3A_632 = arith.select %eq3A_630, %select_n3A_631, %select_n3A_628 : i32
        scf.yield %select_n3A_207, %select_n3A_624, %select_n3A_508, %select_n3A_617, %select_n3A_632 : i32, i32, i32, i32, i32
      }
      %scan3A_68 = arith.constant 4 : i32
      %sub3A = arith.constant 1 : i32
      %sub3A_69 = arith.subi %scan3A_67#4, %sub3A : i32
      %select_n3A_70 = arith.constant true
      %select_n3A_71 = arith.select %select_n3A_70, %sub3A_69, %scan3A_67#4 : i32
      %eq3A_72 = arith.constant -1 : i32
      %eq3A_73 = arith.cmpi eq, %select_n3A_71, %eq3A_72 : i32
      %select_n3A_74 = arith.constant 3 : i32
      %select_n3A_75 = arith.select %eq3A_73, %select_n3A_74, %select_n3A_71 : i32
      %add3A_76 = arith.addi %select_n3A_75, %mul3A_6 : i32
      %sub3A_77 = arith.constant 1 : i32
      %sub3A_78 = arith.subi %select_n3A_75, %sub3A_77 : i32
      %select_n3A_79 = arith.constant true
      %select_n3A_80 = arith.select %select_n3A_79, %sub3A_78, %select_n3A_75 : i32
      %eq3A_81 = arith.constant -1 : i32
      %eq3A_82 = arith.cmpi eq, %select_n3A_80, %eq3A_81 : i32
      %select_n3A_83 = arith.constant 3 : i32
      %select_n3A_84 = arith.select %eq3A_82, %select_n3A_83, %select_n3A_80 : i32
      %add3A_85 = arith.addi %select_n3A_84, %mul3A_6 : i32
      %add3A_86 = arith.constant 1 : i32
      %add3A_87 = arith.addi %select_n3A_75, %add3A_86 : i32
      %select_n3A_88 = arith.constant true
      %select_n3A_89 = arith.select %select_n3A_88, %add3A_87, %select_n3A_75 : i32
      %eq3A_90 = arith.constant 4 : i32
      %eq3A_91 = arith.cmpi eq, %select_n3A_89, %eq3A_90 : i32
      %select_n3A_92 = arith.constant 0 : i32
      %select_n3A_93 = arith.select %eq3A_91, %select_n3A_92, %select_n3A_89 : i32
      %add3A_94 = arith.addi %select_n3A_93, %mul3A_6 : i32
      %add3A_95 = arith.constant 1 : i32
      %add3A_96 = arith.addi %select_n3A_93, %add3A_95 : i32
      %select_n3A_97 = arith.constant true
      %select_n3A_98 = arith.select %select_n3A_97, %add3A_96, %select_n3A_93 : i32
      %eq3A_99 = arith.constant 4 : i32
      %eq3A_100 = arith.cmpi eq, %select_n3A_98, %eq3A_99 : i32
      %select_n3A_101 = arith.constant 0 : i32
      %select_n3A_102 = arith.select %eq3A_100, %select_n3A_101, %select_n3A_98 : i32
      %add3A_103 = arith.addi %select_n3A_102, %mul3A_6 : i32
      "tpu.trace_start"() <{level = 10 : i32, message = "ep_finalize"}> : () -> ()
      %rem3A_104 = arith.constant 2 : i32
      %rem3A_105 = arith.remui %scan3A_67#3, %rem3A_104 : i32
      %jit3A = arith.constant 8 : i32
      %div3A = arith.divsi %add3A_76, %jit3A : i32
      %sign3A = arith.constant 0 : i32
      %sign3A_106 = arith.cmpi sgt, %add3A_76, %sign3A : i32
      %sign3A_107 = arith.extui %sign3A_106 : i1 to i32
      %sign3A_108 = arith.constant 0 : i32
      %sign3A_109 = arith.cmpi slt, %add3A_76, %sign3A_108 : i32
      %sign3A_110 = arith.extui %sign3A_109 : i1 to i32
      %sign3A_111 = arith.subi %sign3A_107, %sign3A_110 : i32
      %sign3A_112 = arith.constant 0 : i32
      %sign3A_113 = arith.cmpi sgt, %jit3A, %sign3A_112 : i32
      %sign3A_114 = arith.extui %sign3A_113 : i1 to i32
      %sign3A_115 = arith.constant 0 : i32
      %sign3A_116 = arith.cmpi slt, %jit3A, %sign3A_115 : i32
      %sign3A_117 = arith.extui %sign3A_116 : i1 to i32
      %sign3A_118 = arith.subi %sign3A_114, %sign3A_117 : i32
      %ne3A = arith.cmpi ne, %sign3A_111, %sign3A_118 : i32
      %rem3A_119 = arith.remsi %add3A_76, %jit3A : i32
      %ne3A_120 = arith.constant 0 : i32
      %ne3A_121 = arith.cmpi ne, %rem3A_119, %ne3A_120 : i32
      %and3A = arith.andi %ne3A, %ne3A_121 : i1
      %sub3A_122 = arith.constant 1 : i32
      %sub3A_123 = arith.subi %div3A, %sub3A_122 : i32
      %select_n3A_124 = arith.select %and3A, %sub3A_123, %div3A : i32
      %jit3A_125 = arith.constant 8 : i32
      %eq3A_126 = arith.constant 0 : i32
      %eq3A_127 = arith.cmpi eq, %jit3A_125, %eq3A_126 : i32
      %jit3A_128 = arith.constant 1 : i32
      %select_n3A_129 = arith.select %eq3A_127, %jit3A_128, %jit3A_125 : i32
      %rem3A_130 = arith.remsi %add3A_76, %select_n3A_129 : i32
      %ne3A_131 = arith.constant 0 : i32
      %ne3A_132 = arith.cmpi ne, %rem3A_130, %ne3A_131 : i32
      %lt3A = arith.constant 0 : i32
      %lt3A_133 = arith.cmpi slt, %rem3A_130, %lt3A : i32
      %lt3A_134 = arith.constant 0 : i32
      %lt3A_135 = arith.cmpi slt, %select_n3A_129, %lt3A_134 : i32
      %ne3A_136 = arith.xori %lt3A_133, %lt3A_135 : i1
      %and3A_137 = arith.andi %ne3A_136, %ne3A_132 : i1
      %add3A_138 = arith.addi %rem3A_130, %select_n3A_129 : i32
      %select_n3A_139 = arith.select %and3A_137, %add3A_138, %rem3A_130 : i32
      %mul3A_140 = arith.constant 1 : i32
      %mul3A_141 = arith.muli %mul3A_140, %select_n3A_124 : i32
      %mul3A_142 = arith.constant 128 : i32
      %mul3A_143 = arith.muli %mul3A_142, %select_n3A_139 : i32
      %dma_wait3A = arith.constant 0 : i32
      %dma_wait3A_144 = arith.constant 0 : i32
      %dma_wait3A_145 = arith.constant 0 : i32
      %dma_wait3A_146 = tpu.memref_slice %run_scoped3A_8[%rem3A_105, %dma_wait3A, %dma_wait3A_144, %dma_wait3A_145] : memref<2x1x128x256xf32, #tpu.memory_space<vmem>> -> memref<1x1x128x256xf32, #tpu.memory_space<vmem>>
      %dma_wait3A_147 = tpu.memref_squeeze %dma_wait3A_146 : memref<1x1x128x256xf32, #tpu.memory_space<vmem>> -> memref<1x128x256xf32, #tpu.memory_space<vmem>>
      %dma_wait3A_148 = arith.constant 0 : i32
      %dma_wait3A_149 = tpu.memref_slice %arg4[%mul3A_141, %mul3A_143, %dma_wait3A_148] : memref<16x1024x256xf32, #tpu.memory_space<hbm>> -> memref<1x128x256xf32, #tpu.memory_space<hbm>>
      %dma_wait3A_150 = tpu.memref_slice %run_scoped3A_9[%rem3A_105] : memref<2x!tpu.dma_semaphore, #tpu.memory_space<semaphore_mem>> -> memref<1x!tpu.dma_semaphore, #tpu.memory_space<semaphore_mem>>
      %dma_wait3A_151 = tpu.memref_squeeze %dma_wait3A_150 : memref<1x!tpu.dma_semaphore, #tpu.memory_space<semaphore_mem>> -> memref<!tpu.dma_semaphore, #tpu.memory_space<semaphore_mem>>
      %dma_wait3A_152 = arith.constant 0 : i32
      %dma_wait3A_153 = tpu.memref_slice %arg4[%mul3A_141, %mul3A_143, %dma_wait3A_152] : memref<16x1024x256xf32, #tpu.memory_space<hbm>> -> memref<1x128x256xf32, #tpu.memory_space<hbm>>
      %dma_wait3A_154 = arith.constant 0 : i32
      %dma_wait3A_155 = arith.constant 0 : i32
      %dma_wait3A_156 = arith.constant 0 : i32
      %dma_wait3A_157 = tpu.memref_slice %run_scoped3A_8[%rem3A_105, %dma_wait3A_154, %dma_wait3A_155, %dma_wait3A_156] : memref<2x1x128x256xf32, #tpu.memory_space<vmem>> -> memref<1x1x128x256xf32, #tpu.memory_space<vmem>>
      %dma_wait3A_158 = tpu.memref_squeeze %dma_wait3A_157 : memref<1x1x128x256xf32, #tpu.memory_space<vmem>> -> memref<1x128x256xf32, #tpu.memory_space<vmem>>
      tpu.wait_dma2 semaphore(%dma_wait3A_151 : memref<!tpu.dma_semaphore, #tpu.memory_space<semaphore_mem>>) src(%dma_wait3A_158 : memref<1x128x256xf32, #tpu.memory_space<vmem>>) dst(%dma_wait3A_153 : memref<1x128x256xf32, #tpu.memory_space<hbm>>)
      "tpu.trace_stop"() : () -> ()
      tpu.yield
    }) : () -> ()
    return
  }
}

module attributes {stable_mosaic.version = 14 : i64} {
  func.func @_argmin_body(%arg0: i32, %arg1: memref<512x256xf32, #tpu.memory_space<vmem>>, %arg2: memref<256x8192xf32, #tpu.memory_space<vmem>>, %arg3: memref<512x1xf32, #tpu.memory_space<vmem>>, %arg4: memref<1x8192xf32, #tpu.memory_space<vmem>>, %arg5: memref<1x8192xf32, #tpu.memory_space<vmem>>, %arg6: memref<1x1x512xi32, #tpu.memory_space<vmem>>, %arg7: memref<1x1x1xf32, #tpu.memory_space<smem>>) attributes {dimension_semantics = [#tpu.dimension_semantics<parallel>], iteration_bounds = array<i64: 32>, scalar_prefetch = 0 : i64, scratch_operands = 0 : i64, tpu.core_type = #tpu.core_type<tc>, window_params = [{transform_indices = @transform_0, window_bounds = array<i64: 512, 256>}, {pipeline_mode = #tpu.pipeline_mode<synchronous>, transform_indices = @transform_1, window_bounds = array<i64: 256, 8192>}, {transform_indices = @transform_2, window_bounds = array<i64: 512, 1>}, {pipeline_mode = #tpu.pipeline_mode<synchronous>, transform_indices = @transform_3, window_bounds = array<i64: 1, 8192>}, {pipeline_mode = #tpu.pipeline_mode<synchronous>, transform_indices = @transform_4, window_bounds = array<i64: 1, 8192>}, {transform_indices = @transform_5, window_bounds = array<i64: 1, 1, 512>}, {transform_indices = @transform_6, window_bounds = array<i64: 1, 1, 1>}]} {
    %get3A = arith.constant 0 : index
    %get3A_0 = arith.constant 0 : index
    %get3A_1 = vector.load %arg1[%get3A, %get3A_0] : memref<512x256xf32, #tpu.memory_space<vmem>>, vector<512x256xf32>
    %mul3A = arith.constant -2.000000e+00 : f32
    %mul3A_2 = vector.broadcast %mul3A : f32 to vector<512x256xf32>
    %mul3A_3 = arith.mulf %get3A_1, %mul3A_2 : vector<512x256xf32>
    %get3A_4 = arith.constant 0 : index
    %get3A_5 = arith.constant 0 : index
    %get3A_6 = vector.load %arg2[%get3A_4, %get3A_5] : memref<256x8192xf32, #tpu.memory_space<vmem>>, vector<256x8192xf32>
    %dot_general3A = arith.constant dense<0.000000e+00> : vector<512x8192xf32>
    %dot_general3A_7 = tpu.matmul %mul3A_3, %get3A_6, %dot_general3A {dimension_numbers = #tpu.dot_dimension_numbers<[1], [0], [0], [1], [0, 0, 1, 1], [], []>, transpose_lhs_hint = false} : vector<512x256xf32>, vector<256x8192xf32>, vector<512x8192xf32> -> vector<512x8192xf32>
    %get3A_8 = arith.constant 0 : index
    %get3A_9 = arith.constant 0 : index
    %get3A_10 = vector.load %arg3[%get3A_8, %get3A_9] : memref<512x1xf32, #tpu.memory_space<vmem>>, vector<512x1xf32>
    %get3A_11 = arith.constant 0 : index
    %get3A_12 = arith.constant 0 : index
    %get3A_13 = vector.load %arg4[%get3A_11, %get3A_12] : memref<1x8192xf32, #tpu.memory_space<vmem>>, vector<1x8192xf32>
    %add3A = vector.broadcast %get3A_10 : vector<512x1xf32> to vector<512x8192xf32>
    %add3A_14 = vector.broadcast %get3A_13 : vector<1x8192xf32> to vector<512x8192xf32>
    %add3A_15 = arith.addf %add3A, %add3A_14 : vector<512x8192xf32>
    %add3A_16 = arith.addf %add3A_15, %dot_general3A_7 : vector<512x8192xf32>
    %slice3A = vector.extract_strided_slice %add3A_16 {offsets = [0, 0], sizes = [512, 2736], strides = [1, 1]} : vector<512x8192xf32> to vector<512x2736xf32>
    %reduce_min3A = arith.constant dense<0x7F800000> : vector<512xf32>
    %reduce_min3A_17 = vector.multi_reduction <minimumf>, %slice3A, %reduce_min3A [1] : vector<512x2736xf32> to vector<512xf32>
    %get3A_18 = arith.constant 0 : index
    %get3A_19 = arith.constant 0 : index
    %get3A_20 = vector.load %arg5[%get3A_18, %get3A_19] : memref<1x8192xf32, #tpu.memory_space<vmem>>, vector<1x8192xf32>
    %slice3A_21 = vector.extract_strided_slice %get3A_20 {offsets = [0, 0], sizes = [1, 2736], strides = [1, 1]} : vector<1x8192xf32> to vector<1x2736xf32>
    %broadcast_in_dim3A = vector.shape_cast %reduce_min3A_17 : vector<512xf32> to vector<512x1xf32>
    %eq3A = vector.broadcast %broadcast_in_dim3A : vector<512x1xf32> to vector<512x2736xf32>
    %eq3A_22 = arith.cmpf oeq, %slice3A, %eq3A : vector<512x2736xf32>
    %jit3A = arith.constant 8.192000e+03 : f32
    %broadcast_in_dim3A_23 = vector.shape_cast %slice3A_21 : vector<1x2736xf32> to vector<1x2736xf32>
    %broadcast_in_dim3A_24 = vector.broadcast %broadcast_in_dim3A_23 : vector<1x2736xf32> to vector<512x2736xf32>
    %broadcast_in_dim3A_25 = vector.broadcast %jit3A : f32 to vector<512x2736xf32>
    %select_n3A = arith.select %eq3A_22, %broadcast_in_dim3A_24, %broadcast_in_dim3A_25 : vector<512x2736xi1>, vector<512x2736xf32>
    %reduce_min3A_26 = arith.constant dense<0x7F800000> : vector<512xf32>
    %reduce_min3A_27 = vector.multi_reduction <minimumf>, %select_n3A, %reduce_min3A_26 [1] : vector<512x2736xf32> to vector<512xf32>
    %convert_element_type3A = arith.fptosi %reduce_min3A_27 : vector<512xf32> to vector<512xi32>
    %convert_element_type3A_28 = arith.truncf %reduce_min3A_17 : vector<512xf32> to vector<512xbf16>
    %convert_element_type3A_29 = arith.extf %convert_element_type3A_28 : vector<512xbf16> to vector<512xf32>
    %slice3A_30 = vector.extract_strided_slice %add3A_16 {offsets = [0, 2736], sizes = [512, 2736], strides = [1, 1]} : vector<512x8192xf32> to vector<512x2736xf32>
    %reduce_min3A_31 = arith.constant dense<0x7F800000> : vector<512xf32>
    %reduce_min3A_32 = vector.multi_reduction <minimumf>, %slice3A_30, %reduce_min3A_31 [1] : vector<512x2736xf32> to vector<512xf32>
    %get3A_33 = arith.constant 0 : index
    %get3A_34 = arith.constant 0 : index
    %get3A_35 = vector.load %arg5[%get3A_33, %get3A_34] : memref<1x8192xf32, #tpu.memory_space<vmem>>, vector<1x8192xf32>
    %slice3A_36 = vector.extract_strided_slice %get3A_35 {offsets = [0, 2736], sizes = [1, 2736], strides = [1, 1]} : vector<1x8192xf32> to vector<1x2736xf32>
    %broadcast_in_dim3A_37 = vector.shape_cast %reduce_min3A_32 : vector<512xf32> to vector<512x1xf32>
    %eq3A_38 = vector.broadcast %broadcast_in_dim3A_37 : vector<512x1xf32> to vector<512x2736xf32>
    %eq3A_39 = arith.cmpf oeq, %slice3A_30, %eq3A_38 : vector<512x2736xf32>
    %jit3A_40 = arith.constant 8.192000e+03 : f32
    %broadcast_in_dim3A_41 = vector.shape_cast %slice3A_36 : vector<1x2736xf32> to vector<1x2736xf32>
    %broadcast_in_dim3A_42 = vector.broadcast %broadcast_in_dim3A_41 : vector<1x2736xf32> to vector<512x2736xf32>
    %broadcast_in_dim3A_43 = vector.broadcast %jit3A_40 : f32 to vector<512x2736xf32>
    %select_n3A_44 = arith.select %eq3A_39, %broadcast_in_dim3A_42, %broadcast_in_dim3A_43 : vector<512x2736xi1>, vector<512x2736xf32>
    %reduce_min3A_45 = arith.constant dense<0x7F800000> : vector<512xf32>
    %reduce_min3A_46 = vector.multi_reduction <minimumf>, %select_n3A_44, %reduce_min3A_45 [1] : vector<512x2736xf32> to vector<512xf32>
    %convert_element_type3A_47 = arith.fptosi %reduce_min3A_46 : vector<512xf32> to vector<512xi32>
    %lt3A = arith.cmpf olt, %reduce_min3A_32, %convert_element_type3A_29 : vector<512xf32>
    %select_n3A_48 = arith.select %lt3A, %convert_element_type3A_47, %convert_element_type3A : vector<512xi1>, vector<512xi32>
    %select_n3A_49 = arith.select %lt3A, %reduce_min3A_32, %reduce_min3A_17 : vector<512xi1>, vector<512xf32>
    %select_n3A_50 = arith.select %lt3A, %reduce_min3A_32, %convert_element_type3A_29 : vector<512xi1>, vector<512xf32>
    %convert_element_type3A_51 = arith.truncf %select_n3A_50 : vector<512xf32> to vector<512xbf16>
    %convert_element_type3A_52 = arith.extf %convert_element_type3A_51 : vector<512xbf16> to vector<512xf32>
    %slice3A_53 = vector.extract_strided_slice %add3A_16 {offsets = [0, 5472], sizes = [512, 2720], strides = [1, 1]} : vector<512x8192xf32> to vector<512x2720xf32>
    %reduce_min3A_54 = arith.constant dense<0x7F800000> : vector<512xf32>
    %reduce_min3A_55 = vector.multi_reduction <minimumf>, %slice3A_53, %reduce_min3A_54 [1] : vector<512x2720xf32> to vector<512xf32>
    %get3A_56 = arith.constant 0 : index
    %get3A_57 = arith.constant 0 : index
    %get3A_58 = vector.load %arg5[%get3A_56, %get3A_57] : memref<1x8192xf32, #tpu.memory_space<vmem>>, vector<1x8192xf32>
    %slice3A_59 = vector.extract_strided_slice %get3A_58 {offsets = [0, 5472], sizes = [1, 2720], strides = [1, 1]} : vector<1x8192xf32> to vector<1x2720xf32>
    %broadcast_in_dim3A_60 = vector.shape_cast %reduce_min3A_55 : vector<512xf32> to vector<512x1xf32>
    %eq3A_61 = vector.broadcast %broadcast_in_dim3A_60 : vector<512x1xf32> to vector<512x2720xf32>
    %eq3A_62 = arith.cmpf oeq, %slice3A_53, %eq3A_61 : vector<512x2720xf32>
    %jit3A_63 = arith.constant 8.192000e+03 : f32
    %broadcast_in_dim3A_64 = vector.shape_cast %slice3A_59 : vector<1x2720xf32> to vector<1x2720xf32>
    %broadcast_in_dim3A_65 = vector.broadcast %broadcast_in_dim3A_64 : vector<1x2720xf32> to vector<512x2720xf32>
    %broadcast_in_dim3A_66 = vector.broadcast %jit3A_63 : f32 to vector<512x2720xf32>
    %select_n3A_67 = arith.select %eq3A_62, %broadcast_in_dim3A_65, %broadcast_in_dim3A_66 : vector<512x2720xi1>, vector<512x2720xf32>
    %reduce_min3A_68 = arith.constant dense<0x7F800000> : vector<512xf32>
    %reduce_min3A_69 = vector.multi_reduction <minimumf>, %select_n3A_67, %reduce_min3A_68 [1] : vector<512x2720xf32> to vector<512xf32>
    %convert_element_type3A_70 = arith.fptosi %reduce_min3A_69 : vector<512xf32> to vector<512xi32>
    %lt3A_71 = arith.cmpf olt, %reduce_min3A_55, %convert_element_type3A_52 : vector<512xf32>
    %select_n3A_72 = arith.select %lt3A_71, %convert_element_type3A_70, %select_n3A_48 : vector<512xi1>, vector<512xi32>
    %select_n3A_73 = arith.select %lt3A_71, %reduce_min3A_55, %select_n3A_49 : vector<512xi1>, vector<512xf32>
    %swap3A = arith.constant 0 : index
    %swap3A_74 = arith.constant 0 : index
    %swap3A_75 = arith.constant 0 : index
    %swap3A_76 = vector.load %arg6[%swap3A, %swap3A_74, %swap3A_75] : memref<1x1x512xi32, #tpu.memory_space<vmem>>, vector<1x1x512xi32>
    %swap3A_77 = vector.shape_cast %swap3A_76 : vector<1x1x512xi32> to vector<512xi32>
    %swap3A_78 = vector.shape_cast %select_n3A_72 : vector<512xi32> to vector<1x1x512xi32>
    tpu.vector_store %arg6[%swap3A, %swap3A_74, %swap3A_75], %swap3A_78 {strides = array<i32>} : memref<1x1x512xi32, #tpu.memory_space<vmem>>, vector<1x1x512xi32>,
    %reduce_sum3A = vector.shape_cast %select_n3A_73 : vector<512xf32> to vector<1x512xf32>
    %reduce_sum3A_79 = arith.constant dense<0.000000e+00> : vector<1xf32>
    %reduce_sum3A_80 = vector.multi_reduction <add>, %reduce_sum3A, %reduce_sum3A_79 [1] : vector<1x512xf32> to vector<1xf32>
    %reduce_sum3A_81 = vector.shape_cast %reduce_sum3A_80 : vector<1xf32> to vector<1x1xf32>
    %reduce_sum3A_82 = vector.extract %reduce_sum3A_81[0, 0] : f32 from vector<1x1xf32>
    %swap3A_83 = arith.constant 0 : index
    %swap3A_84 = arith.constant 0 : index
    %swap3A_85 = arith.constant 0 : index
    %swap3A_86 = memref.load %arg7[%swap3A_83, %swap3A_84, %swap3A_85] : memref<1x1x1xf32, #tpu.memory_space<smem>>
    memref.store %reduce_sum3A_82, %arg7[%swap3A_83, %swap3A_84, %swap3A_85] : memref<1x1x1xf32, #tpu.memory_space<smem>>
    return
  }
  func.func @transform_0(%arg0: i32) -> (i32, i32) {
    %c0_i32 = arith.constant 0 : i32
    %c0_i32_0 = arith.constant 0 : i32
    return %arg0, %c0_i32 : i32, i32
  }
  func.func @transform_1(%arg0: i32) -> (i32, i32) {
    %c0_i32 = arith.constant 0 : i32
    %c0_i32_0 = arith.constant 0 : i32
    %c0_i32_1 = arith.constant 0 : i32
    return %c0_i32, %c0_i32_0 : i32, i32
  }
  func.func @transform_2(%arg0: i32) -> (i32, i32) {
    %c0_i32 = arith.constant 0 : i32
    %c0_i32_0 = arith.constant 0 : i32
    return %arg0, %c0_i32 : i32, i32
  }
  func.func @transform_3(%arg0: i32) -> (i32, i32) {
    %c0_i32 = arith.constant 0 : i32
    %c0_i32_0 = arith.constant 0 : i32
    %c0_i32_1 = arith.constant 0 : i32
    return %c0_i32, %c0_i32_0 : i32, i32
  }
  func.func @transform_4(%arg0: i32) -> (i32, i32) {
    %c0_i32 = arith.constant 0 : i32
    %c0_i32_0 = arith.constant 0 : i32
    %c0_i32_1 = arith.constant 0 : i32
    return %c0_i32, %c0_i32_0 : i32, i32
  }
  func.func @transform_5(%arg0: i32) -> (i32, i32, i32) {
    %c0_i32 = arith.constant 0 : i32
    %c0_i32_0 = arith.constant 0 : i32
    %c0_i32_1 = arith.constant 0 : i32
    return %arg0, %c0_i32, %c0_i32_0 : i32, i32, i32
  }
  func.func @transform_6(%arg0: i32) -> (i32, i32, i32) {
    %c0_i32 = arith.constant 0 : i32
    %c0_i32_0 = arith.constant 0 : i32
    %c0_i32_1 = arith.constant 0 : i32
    return %arg0, %c0_i32, %c0_i32_0 : i32, i32, i32
  }
}

</mosaic_0001>

<sc_bundles>
// kernel: kernel.4.cloned.1.call-start
scs
__scs_entry_jumppad:
0x0: {  	(pc) =	sbr.rel $0x88, $3  }
0x1: {  	(tag) =	ssettag $0x0;
	lr =	simm.s32 $0x1  }
0x2: {  	[smem:$0x3F9F] =	sst lr;
	_ =	strace $0xD0000000  }
0x3: {  	_ = 	snop  }
0x4: {  	_ = 	snop  }
0x5: {  	_ = 	snop  }
0x6: {  	_ = 	snop  }
0x7: {  	_ = 	snop  }
__scs_overlays_trampoline_lowered:
0x8: {  	[smem:$0x3FAE] =	sst s0  }
0x9: {  	[smem:$0x3FAF] =	sst s1  }
0xa: {  	[smem:$0x3FB0] =	sst s2  }
0xb: {  	[smem:$0x3FB1] =	sst s3  }
0xc: {  	[smem:$0x3FB2] =	sst s4  }
0xd: {  	[smem:$0x3FB3] =	sst s5  }
0xe: {  	[smem:$0x3FB4] =	sst s6  }
0xf: {  	[smem:$0x3FB5] =	sst s7  }
0x10: {  	[smem:$0x3FB6] =	sst s8  }
0x11: {  	[smem:$0x3FB7] =	sst s9;
	s0 =	simm.s32 @!p0 $0x0  }
0x12: {  	s1 =	sld [smem:$0x3F9D];
	s0 =	simm.s32 @p0 $0x1  }
0x13: {  	[smem:$0x3FB8] =	sst s0;
	s0 =	simm.s32 @!p1 $0x0  }
0x14: {  	s2 =	sld [smem:$0x3F9C];
	s0 =	simm.s32 @p1 $0x1  }
0x15: {  	[smem:$0x3FB9] =	sst s0;
	s0 =	simm.s32 @!p2 $0x0  }
0x16: {  	s3 =	sld [smem:$0x3FDB];
	s0 =	simm.s32 @p2 $0x1  }
0x17: {  	s4 =	simm.s32 $0x1BF5;
	[smem:$0x3FBB] =	sst s0  }
0x18: {  	s0 =	sld [smem:$0x3F9E];
	_ =	swait.ge [sflag:s4], $0x0  }
0x19: {  	s7 =	sld [smem:$0x3F9F]  }
0x1a: {  	s8 =	sadd.s32 $0xFFFFE003, lr  }
0x1b: {  	s9 =	sadd.s32 $0xFFFFFEF7, lr;
	s5 =	simm.s32 $0xFFFFFFFF;
	p2 =	slt.u32 s8, $0xFFFFF086  }
0x1c: {  	p1 =	slt.u32 s9, $0xF7A;
	s5 =	simm.s32 @!p2 $0x0  }
0x1d: {  	s5 =	simm.s32 @p1 $0x1;
	p0 =	seq.s32 s7, s2  }
0x1e: {  	s7 =	smul.u32 @!p0 $0xF7A, s2;
	p2 =	seq.s32 @!p0 s5, $0x0  }
0x1f: {  	s9 =	smul.u32 $0xF7A, s1;
	s8 =	simm.s32 @!p0 $0x1BF5;
	p2 =	por !p2, p0  }
0x20: {  	[sflag:s8] =	ssyncset.s32 @!p0 $0xFFFFF086;
	s6 =	sadd.s32 @!p0 s3, s7;
	s7 =	simm.s32 @!p0 $0x108  }
0x21: {  	s3 =	sadd.s32 s3, s9;
	s6 =	sadd.s32 @!p0 $0x88, s6;
	s7 =	simm.s32 @p2 $0x1082  }
0x22: {  	[simem:s7], [sflag:s8] =	dma.local @!p0 [hbm:s6], $0xF7A  }
0x23: {  	s9 =	sor.u32 $0xD0000000, s2;
	s6 =	simm.s32 $0x108;
	_ =	swait.ge @!p0 [sflag:s8], $0x0  }
0x24: {  	s3 =	sadd.s32 $0x88, s3;
	s6 =	simm.s32 @!p1 $0x1082;
	[sflag:s4] =	ssyncset.s32 $0xFFFFF086  }
0x25: {  	[simem:s6], [sflag:s4] =	dma.local [hbm:s3], $0xF7A  }
0x26: {  	[smem:$0x3F9F] =	sst s1;
	(tag) =	ssettag s2;
	_ =	strace s9  }
0x27: {  	s1 =	sld [smem:$0x3FAF]  }
0x28: {  	s2 =	sld [smem:$0x3FB0]  }
0x29: {  	s4 =	sld [smem:$0x3FB2]  }
0x2a: {  	p0 =	seq.s32 s5, $0x0;
	s5 =	sld [smem:$0x3FB3]  }
0x2b: {  	s6 =	sld [smem:$0x3FB4]  }
0x2c: {  	s7 =	sld [smem:$0x3FB5]  }
0x2d: {  	s3 =	simm.s32 $0x108;
	s8 =	sld [smem:$0x3FB6]  }
0x2e: {  	s3 =	simm.s32 @!p0 $0x1082;
	s9 =	sld [smem:$0x3FB7]  }
0x2f: {  	lr =	sadd.s32 s0, s3;
	s0 =	sld [smem:$0x3FAE]  }
0x30: {  	s3 =	sld [smem:$0x3FB1]  }
0x31: {  	[smem:$0x3FBA] =	sst s10  }
0x32: {  	s10 =	sld [smem:$0x3FB8];
	_ =	sdelay $0x3  }
0x33: {  	p0 =	seq.s32 s10, $0x1;
	s10 =	sld [smem:$0x3FBA];
	_ =	sdelay $0x3  }
0x34: {  	[smem:$0x3FBA] =	sst s10  }
0x35: {  	s10 =	sld [smem:$0x3FB9];
	_ =	sdelay $0x3  }
0x36: {  	p1 =	seq.s32 s10, $0x1;
	s10 =	sld [smem:$0x3FBA];
	_ =	sdelay $0x3  }
0x37: {  	[smem:$0x3FBA] =	sst s10  }
0x38: {  	s10 =	sld [smem:$0x3FBB]  }
0x39: {  	_ = 	snop;
	(pc) =	sbr.ind lr, $3  }
0x3a: {  	_ = 	snop  }
0x3b: {  	_ = 	snop  }
0x3c: {  	p2 =	seq.s32 s10, $0x1;
	s10 =	sld [smem:$0x3FBA]  }
0x3d: {  	_ =	shalt  }
0x3e: {  	_ =	shalt  }
0x3f: {  	_ =	shalt  }
0x40: {  	_ =	shalt  }
0x41: {  	_ =	shalt  }
0x42: {  	_ =	shalt  }
0x43: {  	_ =	shalt  }
0x44: {  	_ =	shalt  }
0x45: {  	_ =	shalt  }
0x46: {  	_ =	shalt  }
0x47: {  	_ =	shalt  }
0x48: {  	_ =	shalt  }
0x49: {  	_ =	shalt  }
0x4a: {  	_ =	shalt  }
0x4b: {  	_ =	shalt  }
0x4c: {  	_ =	shalt  }
0x4d: {  	_ =	shalt  }
0x4e: {  	_ =	shalt  }
0x4f: {  	_ =	shalt  }
0x50: {  	_ =	shalt  }
0x51: {  	_ =	shalt  }
0x52: {  	_ =	shalt  }
0x53: {  	_ =	shalt  }
0x54: {  	_ =	shalt  }
0x55: {  	_ =	shalt  }
0x56: {  	_ =	shalt  }
0x57: {  	_ =	shalt  }
0x58: {  	_ =	shalt  }
0x59: {  	_ =	shalt  }
0x5a: {  	_ =	shalt  }
0x5b: {  	_ =	shalt  }
0x5c: {  	_ =	shalt  }
0x5d: {  	_ =	shalt  }
0x5e: {  	_ =	shalt  }
0x5f: {  	_ =	shalt  }
0x60: {  	_ =	shalt  }
0x61: {  	_ =	shalt  }
0x62: {  	_ =	shalt  }
0x63: {  	_ =	shalt  }
0x64: {  	_ =	shalt  }
0x65: {  	_ =	shalt  }
0x66: {  	_ =	shalt  }
0x67: {  	_ =	shalt  }
0x68: {  	_ =	shalt  }
0x69: {  	_ =	shalt  }
0x6a: {  	_ =	shalt  }
0x6b: {  	_ =	shalt  }
0x6c: {  	_ =	shalt  }
0x6d: {  	_ =	shalt  }
0x6e: {  	_ =	shalt  }
0x6f: {  	_ =	shalt  }
0x70: {  	_ =	shalt  }
0x71: {  	_ =	shalt  }
0x72: {  	_ =	shalt  }
0x73: {  	_ =	shalt  }
0x74: {  	_ =	shalt  }
0x75: {  	_ =	shalt  }
0x76: {  	_ =	shalt  }
0x77: {  	_ =	shalt  }
0x78: {  	_ =	shalt  }
0x79: {  	_ =	shalt  }
0x7a: {  	_ =	shalt  }
0x7b: {  	_ =	shalt  }
0x7c: {  	_ =	shalt  }
0x7d: {  	_ =	shalt  }
0x7e: {  	_ =	shalt  }
0x7f: {  	_ =	shalt  }
0x80: {  	_ =	shalt  }
0x81: {  	_ =	shalt  }
0x82: {  	_ =	shalt  }
0x83: {  	_ =	shalt  }
0x84: {  	_ =	shalt  }
0x85: {  	_ =	shalt  }
0x86: {  	_ =	shalt  }
0x87: {  	_ =	shalt  }
.Lfunc_end0:
.L_simem_size_0:
called_computation_lowered:
.L_overlay_start_0:
0x88: {  	s2 =	sld [smem:$0x3FD9]  }
0x89: {  	s3 =	sld [smem:$0x3FFE];
	_ =	sdelay $0x1  }
0x8a: {  	s1 =	srdreg.scid  }
0x8b: {  	s0 =	sand.u32 $0x1, s1  }
0x8c: {  	s15 =	sshll.u32 s0, $0xA;
	s2 =	sadd.s32 s3, s2  }
0x8d: {  	s2 =	sadd.s32 s2, s15  }
0x8e: {  	[smem:$0x3FC6] =	sst s2  }
0x8f: {  	_ = 	snop  }
0x90: {  	s2 =	sld [smem:$0x3FD0];
	_ =	sdelay $0x2  }
0x91: {  	s4 =	simm.s32 $0xA;
	s5 =	simm.s32 $0x10;
	s16 =	sld [smem:$0x3FC8]  }
0x92: {  	[smem:s5], [sflag:s4] =	dma.local [hbm:s2], $0x1  }
0x93: {  	_ =	swait.eq [sflag:s4], $0x1  }
0x94: {  	[sflag:s4] =	ssyncset.done $0x0  }
0x95: {  	s17 =	sld [smem:$0x10];
	[sflag:s4] =	ssyncadd.s32 $0xFFFFFFFF  }
0x96: {  	s18 =	sld [smem:$0x12];
	(tm) =	ssettm $0x1  }
0x97: {  	s19 =	sld [smem:$0x3FFB];
	_ =	sdelay $0x3  }
0x98: {  	_ =	strace s19  }
0x99: {  	s5 =	sld [smem:$0x3FFC];
	_ =	sdelay $0x3  }
0x9a: {  	_ =	strace s5  }
0x9b: {  	s5 =	sld [smem:$0x3FFD];
	_ =	sdelay $0x3  }
0x9c: {  	_ =	strace s5  }
0x9d: {  	_ =	strace $0x8FFFFFFF  }
0x9e: {  	s20 =	sld [smem:$0x3FDB];
	_ =	sdelay $0x1  }
0x9f: {  	s6 =	simm.s32 $_scs_section_size  }
0xa0: {  	s7 =	simm.s32 $_size__tile_overlayer_lowered;
	s8 =	simm.s32 $_tile_overlayer_lowered  }
0xa1: {  	s23 =	simm.s32 $0x1BFF;
	s22 =	sshll.u32 s8, $0x1;
	s5 =	sadd.s32 s6, s20  }
0xa2: {  	s9 =	simm.s32 $0x0;
	s21 =	sshll.u32 s7, $0x1;
	s7 =	sadd.s32 s22, s5  }
0xa3: {  	[timem:s9], [sflag:s23] =	dma.local [hbm:s7], s21  }
0xa4: {  	_ =	swait.ge [sflag:s23], s21  }
0xa5: {  	s6 =	ssub.s32 $0x0, s21;
	[sflag:s23] =	ssyncset.done $0x0  }
0xa6: {  	[sflag:s23] =	ssyncadd.s32 s6;
	_ =	sdelay $0x1  }
0xa7: {  	s24 =	simm.s32 $0x1B8B  }
0xa8: {  	_ =	swait.ge [sflag:s24], $0x1  }
0xa9: {  	[sflag:s24] =	ssyncset.done $0x0  }
0xaa: {  	s25 =	simm.s32 $0x1B8E;
	[sflag:s24] =	ssyncadd.s32 $0xFFFFFFFF  }
0xab: {  	s26 =	simm.s32 $execute0_lowered;
	[smem:$0x3FD2] =	sst s25  }
0xac: {  	s6 =	sshll.u32 s26, $0x1;
	_ =	strace $0x80000046;
	[dreg:$0x1] =	wrdreg $0xFFFFFFFF  }
0xad: {  	s28 =	simm.s32 $_size_execute0_lowered;
	s5 =	sadd.s32 s5, s6;
	[dreg:$0x0] =	wrdreg $0x0  }
0xae: {  	s6 =	sshll.u32 s28, $0x1;
	[dreg:$0x2] =	wrdreg s5  }
0xaf: {  	[dreg:$0x3] =	wrdreg s6  }
0xb0: {  	[dreg:$0x4] =	wrdreg $0xC0  }
0xb1: {  	_ =	task [dreg:s9], $0x5FFFF  }
0xb2: {  	[dreg:$0x1] =	wrdreg $0xFFFFFFFF  }
0xb3: {  	[dreg:$0x0] =	wrdreg $0x60  }
0xb4: {  	[dreg:$0x2] =	wrdreg s16  }
0xb5: {  	[dreg:$0x3] =	wrdreg s18  }
0xb6: {  	[dreg:$0x4] =	wrdreg s17  }
0xb7: {  	[dreg:$0x5] =	wrdreg $0x9  }
0xb8: {  	_ =	task.clear_ibuf [dreg:s9], $0x6FFFF;
	_ =	strace $0x90000046  }
0xb9: {  	s29 =	simm.s32 $0x9;
	_ =	strace $0x8000004F  }
0xba: {  	_ =	swait.ge [sflag:s29], $0x1  }
0xbb: {  	[sflag:s29] =	ssyncadd.s32 $0xFFFFFFFF  }
0xbc: {  	_ =	strace $0x9000004F  }
0xbd: {  	_ =	sfence  }
0xbe: {  	s30 =	sld [smem:$0x0];
	_ =	sdelay $0x2  }
0xbf: {  	s31 =	sshll.u32 s1, $0xD;
	s1 =	sshrl.u32 s1, $0x2  }
0xc0: {  	s3 =	sand.u32 $0x4000, s31;
	s1 =	sadd.s32 s1, s30  }
0xc1: {  	s0 =	sor.u32 s3, s0;
	s1 =	sshll.u32 s1, $0x11  }
0xc2: {  	s0 =	sor.u32 s1, s0  }
0xc3: {  	s0 =	sadd.s32 $0x8F2B, s0  }
0xc4: {  	[sflag:s0] =	ssyncadd.remote.s32 $0x1  }
0xc5: {  	_ =	sfence.sel $0xFFFF  }
0xc6: {  	[dreg:$0x0] =	wrdreg $0xFFFFFFFF;
	(pc) =	sbr.abs _section_cstart, $3  }
0xc7: {  	[dreg:$0x1] =	wrdreg $0xFFFFFFFF  }
0xc8: {  	_ =	task.clear_ibuf [dreg:s9], $0x2FFFF;
	_ =	strace $0x9FFFFFFF  }
0xc9: {  	(tm) =	ssettm $0x7FFFFFFF  }
tec
execute0_lowered:
.L_overlay_start_1:
0x0: {  	(tag) =	ssettag $0x1  }
0x1: {  	s1 =	rddreg [dreg:$0x0]  }
0x2: {  	s2 =	rddreg [dreg:$0x1]  }
0x3: {  	s0 =	rddreg [dreg:$0x2];
	s3 =	srdreg.scid  }
0x4: {  	s4 =	simm.s32 $0x0;
	s9 =	simm.s32 $0x0;
	[dreg:$0x4] =	wrdreg s0  }
0x5: {  	s0 =	rddreg [dreg:$0x3];
	s5 =	sand.u32 $0x1, s3;
	s3 =	stileid.u32  }
0x6: {  	[smem:$0x7FF] =	sst s4;
	s6 =	sshll.u32 s5, $0x4;
	s5 =	ssub.s32 $0x2, s5  }
0x7: {  	v2 =	vlaneseq.u32;
	_ =	strace $0x80000047;
	s6 =	sor.u32 s3, s6;
	s7 =	sshrl.u32 s5, $0x1  }
0x8: {  	vm0 =	vmmov $0xffff;
	v1 =	vshrl.u32 v2, $0x3;
	s8 =	sshll.u32 s6, $0x6;
	s7 =	ssub.s32 s5, s7;
	s5 =	sshll.u32 s6, $0x2  }
0x9: {  	v0 =	vand.u32 $0x7, v2;
	v2 =	vor.u32 $0x8, v2;
	v1 =	vmul.u32 $0x8, v1;
	s6 =	sadd.s32 s2, s8;
	s7 =	smax.u32 s7, $0x1;
	s8 =	simm.s32 $0x5  }
.LBB2_1:
0xa: {  	_ =	strace $0x80000048;
	s10 =	simm.s32 $0x4  }
0xb: {  	s12 =	simm.s32 $0x0;
	s11 =	simm.s32 $0x0;
	s13 =	simm.s32 $0x0  }
0xc: {  	[tilespmem:s4], [sflag:$0x1] =	stream.linear.gather [hbm4b:s6+s4], $0x80, $0x200038;
	[tilespmem:$0x10100] =	vst v63  }
0xd: {  	s14 =	simm.s32 $0x0;
	s15 =	simm.s32 $0x1;
	_ =	strace $0x90000048  }
.LBB2_2:
0xe: {  	s19 =	smov.u32 s12;
	s12 =	sadd.s32 $0x1, s12  }
0xf: {  	p0 =	seq.s32 s12, $0x4  }
0x10: {  	s12 =	simm.s32 @p0 $0x0  }
0x11: {  	p1 =	sne.s32 s10, $0x1;
	p0 =	sne.s32 s19, s12  }
0x12: {  	p1 =	por !p1, !p0  }
0x13: {  	s16 =	sadd.s32 s5, s12;
	p1 =	por !p1, !p1  }
0x14: {  	s17 =	sand.u32 @p1 $0x1, s15;
	s18 =	sshll.u32 @p1 s16, $0x4  }
0x15: {  	_ =	strace @p1 $0x80000049;
	s21 =	simm.s32 @p1 $0x0;
	s18 =	sand.u32 @p1 $0x1FFFFFF0, s18  }
0x16: {  	s20 =	sshll.u32 @p1 s17, $0x7;
	s17 =	sadd.s32 @p1 $0x1, s17;
	s18 =	sadd.s32 @p1 s2, s18  }
0x17: {  	[tilespmem:s20], [sflag:s17] =	stream.linear.gather @p1 [hbm4b:s18+s21], $0x80, $0x200038;
	[tilespmem:$0x10100] =	vst v63  }
0x18: {  	s25 =	sand.u32 $0x1, s14;
	_ =	strace @p1 $0x90000049  }
0x19: {  	s17 =	sadd.s32 $0x1, s25;
	_ =	strace $0x8000004A  }
0x1a: {  	_ =	swait.ge [sflag:s17], $0x80  }
0x1b: {  	[sflag:s17] =	ssyncset.done $0x0  }
0x1c: {  	[sflag:s17] =	ssyncadd.s32 $0xFFFFFF80  }
0x1d: {  	s26 =	sshll.u32 s14, $0x7;
	_ =	strace $0x9000004A  }
0x1e: {  	s21 =	sand.u32 $0x80, s26;
	_ =	strace $0x8000004B  }
0x1f: {  	v3 =	vld [tilespmem:s21+$0x0];
	_ =	sdelay $0x4  }
0x20: {  	v4 =	vshll.u32 v3, $0x1  }
0x21: {  	v3 =	vand.u32 $0x7, v3;
	v4 =	vand.u32 $0xFFFFFFF0, v4  }
0x22: {  	v3 =	vor.u32 v3, v4  }
0x23: {  	v4 =	vperm.xlane v3, v0;
	_ =	sdelay $0x1  }
0x24: {  	v3 =	vperm.xlane v3, v2;
	v4 =	vadd.s32 v1, v4;
	_ =	sdelay $0x1  }
0x25: {  	s17 =	sand.u32 $0x1, s13;
	v3 =	vadd.s32 v1, v3  }
0x26: {  	s20 =	sshll.u32 s17, $0xF  }
0x27: {  	s18 =	sor.u32 $0x100, s20  }
0x28: {  	[tilespmem:s18], [sflag:$0x5] =	stream.indirect_vreg.gather [hbm4b:s1+s4], $0x80, v4, vm0, $0x2000b8;
	[tilespmem:$0x10100] =	vst v63  }
0x29: {  	s22 =	sor.u32 $0x900, s20  }
0x2a: {  	[tilespmem:s22], [sflag:$0x5] =	stream.indirect_vreg.gather [hbm4b:s1+s4], $0x80, v3, vm0, $0x2000b8;
	[tilespmem:$0x10100] =	vst v63  }
0x2b: {  	v3 =	vld [tilespmem:s21+$0x10];
	_ =	sdelay $0x4  }
0x2c: {  	v57 =	vshll.u32 v3, $0x1  }
0x2d: {  	v3 =	vand.u32 $0x7, v3;
	v4 =	vand.u32 $0xFFFFFFF0, v57  }
0x2e: {  	v3 =	vor.u32 v3, v4  }
0x2f: {  	v4 =	vperm.xlane v3, v0;
	_ =	sdelay $0x1  }
0x30: {  	v3 =	vperm.xlane v3, v2;
	v4 =	vadd.s32 v1, v4;
	_ =	sdelay $0x1  }
0x31: {  	v3 =	vadd.s32 v1, v3;
	_ =	sdelay $0x1  }
0x32: {  	s28 =	sor.u32 $0x1100, s20  }
0x33: {  	[tilespmem:s28], [sflag:$0x5] =	stream.indirect_vreg.gather [hbm4b:s1+s4], $0x80, v4, vm0, $0x2000b8;
	[tilespmem:$0x10100] =	vst v63  }
0x34: {  	s29 =	sor.u32 $0x1900, s20  }
0x35: {  	[tilespmem:s29], [sflag:$0x5] =	stream.indirect_vreg.gather [hbm4b:s1+s4], $0x80, v3, vm0, $0x2000b8;
	[tilespmem:$0x10100] =	vst v63  }
0x36: {  	v3 =	vld [tilespmem:s21+$0x20];
	_ =	sdelay $0x4  }
0x37: {  	v58 =	vshll.u32 v3, $0x1  }
0x38: {  	v3 =	vand.u32 $0x7, v3;
	v4 =	vand.u32 $0xFFFFFFF0, v58  }
0x39: {  	v3 =	vor.u32 v3, v4  }
0x3a: {  	v4 =	vperm.xlane v3, v0;
	_ =	sdelay $0x1  }
0x3b: {  	v3 =	vperm.xlane v3, v2;
	v4 =	vadd.s32 v1, v4;
	_ =	sdelay $0x1  }
0x3c: {  	v3 =	vadd.s32 v1, v3;
	_ =	sdelay $0x1  }
0x3d: {  	s30 =	sor.u32 $0x2100, s20  }
0x3e: {  	[tilespmem:s30], [sflag:$0x5] =	stream.indirect_vreg.gather [hbm4b:s1+s4], $0x80, v4, vm0, $0x2000b8;
	[tilespmem:$0x10100] =	vst v63  }
0x3f: {  	s31 =	sor.u32 $0x2900, s20  }
0x40: {  	[tilespmem:s31], [sflag:$0x5] =	stream.indirect_vreg.gather [hbm4b:s1+s4], $0x80, v3, vm0, $0x2000b8;
	[tilespmem:$0x10100] =	vst v63  }
0x41: {  	v3 =	vld [tilespmem:s21+$0x30];
	_ =	sdelay $0x4  }
0x42: {  	v59 =	vshll.u32 v3, $0x1  }
0x43: {  	v3 =	vand.u32 $0x7, v3;
	v4 =	vand.u32 $0xFFFFFFF0, v59  }
0x44: {  	v3 =	vor.u32 v3, v4  }
0x45: {  	v4 =	vperm.xlane v3, v0;
	_ =	sdelay $0x1  }
0x46: {  	v3 =	vperm.xlane v3, v2;
	v4 =	vadd.s32 v1, v4;
	_ =	sdelay $0x1  }
0x47: {  	v3 =	vadd.s32 v1, v3;
	_ =	sdelay $0x1  }
0x48: {  	s23 =	sor.u32 $0x3100, s20  }
0x49: {  	[tilespmem:s23], [sflag:$0x5] =	stream.indirect_vreg.gather [hbm4b:s1+s4], $0x80, v4, vm0, $0x2000b8;
	[tilespmem:$0x10100] =	vst v63  }
0x4a: {  	s24 =	sor.u32 $0x3900, s20  }
0x4b: {  	[tilespmem:s24], [sflag:$0x5] =	stream.indirect_vreg.gather [hbm4b:s1+s4], $0x80, v3, vm0, $0x2000b8;
	[tilespmem:$0x10100] =	vst v63  }
0x4c: {  	v3 =	vld [tilespmem:s21+$0x40];
	_ =	sdelay $0x4  }
0x4d: {  	v60 =	vshll.u32 v3, $0x1  }
0x4e: {  	v3 =	vand.u32 $0x7, v3;
	v4 =	vand.u32 $0xFFFFFFF0, v60  }
0x4f: {  	v3 =	vor.u32 v3, v4  }
0x50: {  	v4 =	vperm.xlane v3, v0;
	_ =	sdelay $0x1  }
0x51: {  	v3 =	vperm.xlane v3, v2;
	v4 =	vadd.s32 v1, v4;
	_ =	sdelay $0x1  }
0x52: {  	v3 =	vadd.s32 v1, v3;
	_ =	sdelay $0x1  }
0x53: {  	s25 =	sor.u32 $0x4100, s20  }
0x54: {  	[tilespmem:s25], [sflag:$0x5] =	stream.indirect_vreg.gather [hbm4b:s1+s4], $0x80, v4, vm0, $0x2000b8;
	[tilespmem:$0x10100] =	vst v63  }
0x55: {  	s26 =	sor.u32 $0x4900, s20  }
0x56: {  	[tilespmem:s26], [sflag:$0x5] =	stream.indirect_vreg.gather [hbm4b:s1+s4], $0x80, v3, vm0, $0x2000b8;
	[tilespmem:$0x10100] =	vst v63  }
0x57: {  	v3 =	vld [tilespmem:s21+$0x50];
	_ =	sdelay $0x4  }
0x58: {  	v61 =	vshll.u32 v3, $0x1  }
0x59: {  	v3 =	vand.u32 $0x7, v3;
	v4 =	vand.u32 $0xFFFFFFF0, v61  }
0x5a: {  	v3 =	vor.u32 v3, v4  }
0x5b: {  	v4 =	vperm.xlane v3, v0;
	_ =	sdelay $0x1  }
0x5c: {  	v3 =	vperm.xlane v3, v2;
	v4 =	vadd.s32 v1, v4;
	_ =	sdelay $0x1  }
0x5d: {  	v3 =	vadd.s32 v1, v3;
	_ =	sdelay $0x1  }
0x5e: {  	s28 =	sor.u32 $0x5100, s20  }
0x5f: {  	[tilespmem:s28], [sflag:$0x5] =	stream.indirect_vreg.gather [hbm4b:s1+s4], $0x80, v4, vm0, $0x2000b8;
	[tilespmem:$0x10100] =	vst v63  }
0x60: {  	s29 =	sor.u32 $0x5900, s20  }
0x61: {  	[tilespmem:s29], [sflag:$0x5] =	stream.indirect_vreg.gather [hbm4b:s1+s4], $0x80, v3, vm0, $0x2000b8;
	[tilespmem:$0x10100] =	vst v63  }
0x62: {  	v3 =	vld [tilespmem:s21+$0x60];
	_ =	sdelay $0x4  }
0x63: {  	v62 =	vshll.u32 v3, $0x1  }
0x64: {  	v3 =	vand.u32 $0x7, v3;
	v4 =	vand.u32 $0xFFFFFFF0, v62  }
0x65: {  	v3 =	vor.u32 v3, v4  }
0x66: {  	v4 =	vperm.xlane v3, v0;
	_ =	sdelay $0x1  }
0x67: {  	v3 =	vperm.xlane v3, v2;
	v4 =	vadd.s32 v1, v4;
	_ =	sdelay $0x1  }
0x68: {  	v3 =	vadd.s32 v1, v3;
	_ =	sdelay $0x1  }
0x69: {  	s30 =	sor.u32 $0x6100, s20  }
0x6a: {  	[tilespmem:s30], [sflag:$0x5] =	stream.indirect_vreg.gather [hbm4b:s1+s4], $0x80, v4, vm0, $0x2000b8;
	[tilespmem:$0x10100] =	vst v63  }
0x6b: {  	s31 =	sor.u32 $0x6900, s20  }
0x6c: {  	[tilespmem:s31], [sflag:$0x5] =	stream.indirect_vreg.gather [hbm4b:s1+s4], $0x80, v3, vm0, $0x2000b8;
	[tilespmem:$0x10100] =	vst v63  }
0x6d: {  	v3 =	vld [tilespmem:s21+$0x70];
	_ =	sdelay $0x4  }
0x6e: {  	v63 =	vshll.u32 v3, $0x1  }
0x6f: {  	v3 =	vand.u32 $0x7, v3;
	v4 =	vand.u32 $0xFFFFFFF0, v63  }
0x70: {  	v3 =	vor.u32 v3, v4  }
0x71: {  	v4 =	vperm.xlane v3, v0;
	_ =	sdelay $0x1  }
0x72: {  	v3 =	vperm.xlane v3, v2;
	v4 =	vadd.s32 v1, v4;
	_ =	sdelay $0x1  }
0x73: {  	p2 =	seq.s32 s19, $0x0;
	s22 =	sadd.s32 $0xFFFFFFFF, s19;
	v3 =	vadd.s32 v1, v3  }
0x74: {  	p6 =	slt.s32 s16, $0x1;
	s22 =	simm.s32 @p2 $0x3  }
0x75: {  	s22 =	sadd.s32 s5, s22;
	s23 =	sor.u32 $0x7100, s20;
	s24 =	sadd.s32 s5, s19  }
0x76: {  	[tilespmem:s23], [sflag:$0x5] =	stream.indirect_vreg.gather [hbm4b:s1+s4], $0x80, v4, vm0, $0x2000b8;
	[tilespmem:$0x10100] =	vst v63  }
0x77: {  	s20 =	sor.u32 $0x7900, s20;
	p3 =	slt.s32 s24, $0x1;
	s25 =	sshra.s32 s24, $0x1F  }
0x78: {  	[tilespmem:s20], [sflag:$0x5] =	stream.indirect_vreg.gather [hbm4b:s1+s4], $0x80, v3, vm0, $0x2000b8;
	[tilespmem:$0x10100] =	vst v63  }
0x79: {  	s30 =	sshra.s32 s22, $0x1F;
	s23 =	sshra.s32 s16, $0x1F;
	s20 =	sshrl.u32 s25, $0x1D  }
0x7a: {  	s21 =	sand.u32 $0x7, s24;
	s28 =	sshrl.u32 s23, $0x1D;
	s20 =	sadd.s32 s20, s24  }
0x7b: {  	s23 =	simm.s32 $0x1;
	s19 =	sadd.s32 s28, s16;
	s26 =	sand.u32 $0xFFFFFFF8, s20  }
0x7c: {  	s29 =	sand.u32 $0xFFFFFFF8, s19;
	_ =	swait.ge [sflag:s8], $0x8000;
	p4 =	sne.s32 s24, s26  }
0x7d: {  	s19 =	sshra.s32 s19, $0x3;
	p5 =	sne.s32 s16, s29;
	p4 =	por !p3, !p4  }
0x7e: {  	s20 =	sshra.s32 s20, $0x3;
	[sflag:s8] =	ssyncset.done $0x0;
	p2 =	por !p4, !p4  }
0x7f: {  	s16 =	sand.u32 $0x7, s16;
	p3 =	por !p6, !p5;
	s23 =	simm.s32 @!p2 $0x0  }
0x80: {  	p2 =	por !p3, !p3;
	s20 =	ssub.s32 s20, s23;
	s23 =	simm.s32 $0x1  }
0x81: {  	[sflag:s8] =	ssyncadd.s32 $0xFFFF8000;
	p5 =	sne.s32 s21, s16;
	s23 =	simm.s32 @!p2 $0x0  }
0x82: {  	p6 =	slt.s32 s22, $0x1;
	s19 =	ssub.s32 s19, s23;
	s23 =	sshrl.u32 s30, $0x1D  }
0x83: {  	_ =	strace $0x9000004B;
	s16 =	simm.s32 $0x1;
	s23 =	sadd.s32 s23, s22  }
0x84: {  	p2 =	seq.s32 s10, $0x1;
	p4 =	sne.s32 s20, s19;
	s31 =	sand.u32 $0xFFFFFFF8, s23  }
0x85: {  	p0 =	por p2, p0;
	p3 =	por p5, p4;
	p5 =	sne.s32 s22, s31  }
0x86: {  	s23 =	sshra.s32 s23, $0x3;
	p3 =	por p2, p3;
	p4 =	por !p6, !p5  }
0x87: {  	s22 =	sand.u32 $0x7, s22;
	_ =	strace @p3 $0x8000004C;
	p4 =	por !p4, !p4  }
0x88: {  	s19 =	sshll.u32 @p3 s20, $0x12;
	p6 =	sne.s32 s21, s22;
	s16 =	simm.s32 @!p4 $0x0  }
0x89: {  	s17 =	sadd.s32 @p3 $0x3, s17;
	s16 =	ssub.s32 s23, s16;
	s23 =	sshll.u32 @p3 s21, $0xF  }
0x8a: {  	p5 =	sne.s32 s20, s16;
	s16 =	rddreg [dreg:$0x4];
	s19 =	sor.u32 @p3 s23, s19  }
0x8b: {  	p4 =	por p6, p5;
	p6 =	sne.s32 s10, $0x4;
	s19 =	sshrl.u32 @p3 s19, $0x3  }
0x8c: {  	p4 =	por !p6, !p4;
	s16 =	sadd.s32 @p3 s16, s19;
	s19 =	simm.s32 @p3 $0x0  }
0x8d: {  	[hbm4b:s16+s19] =	stream.linear.scatter @p3 [tilespmem:s18], [sflag:s17], $0x8000, $0x200038;
	[tilespmem:$0x10100] =	vst v63  }
0x8e: {  	s10 =	sadd.s32 $0xFFFFFFFF, s10;
	p4 =	por !p4, !p4;
	s17 =	simm.s32 $0x1  }
0x8f: {  	_ =	strace @p3 $0x9000004C;
	s16 =	sand.u32 @p4 $0x1, s11;
	s17 =	simm.s32 @!p1 $0x0  }
0x90: {  	_ =	strace @p4 $0x8000004D;
	s15 =	sadd.s32 s17, s15;
	s17 =	simm.s32 $0x1  }
0x91: {  	s16 =	sadd.s32 @p4 $0x3, s16;
	s17 =	simm.s32 @!p0 $0x0;
	p0 =	sne.s32 s10, $0x0  }
.Ltmp0:
0x92: {  	_ =	swait.ge @p4 [sflag:s16], $0x8000;
	(pc) =	sbr.rel @p0 .LBB2_2-.Ltmp0, $4  }
0x93: {  	s18 =	simm.s32 $0x1;
	[sflag:s16] =	ssyncset.done @p4 $0x0  }
0x94: {  	s18 =	simm.s32 @!p3 $0x0;
	[sflag:s16] =	ssyncadd.s32 @p4 $0xFFFF8000;
	s16 =	simm.s32 $0x1  }
0x95: {  	s13 =	sadd.s32 s18, s13;
	s16 =	simm.s32 @!p4 $0x0  }
0x96: {  	s14 =	sadd.s32 s17, s14;
	_ =	strace @p4 $0x9000004D;
	s11 =	sadd.s32 s16, s11  }
0x97: {  	s9 =	sadd.s32 $0x1, s9  }
0x98: {  	s10 =	sand.u32 $0x1, s11;
	p0 =	sne.s32 s9, s7  }
.Ltmp1:
0x99: {  	_ =	strace $0x8000004E;
	s10 =	sadd.s32 $0x3, s10;
	(pc) =	sbr.rel @p0 .LBB2_1-.Ltmp1, $4  }
0x9a: {  	_ =	swait.ge [sflag:s10], $0x8000  }
0x9b: {  	[sflag:s10] =	ssyncset.done $0x0  }
0x9c: {  	[sflag:s10] =	ssyncadd.s32 $0xFFFF8000  }
0x9d: {  	_ =	strace $0x9000004E  }
0x9e: {  	_ =	sfence.sel $0x180000  }
0x9f: {  	[bflag:$0x0] =	sbarrier.arrive $0xFFFF  }
0xa0: {  	p0 =	sne.s32 s3, $0x0;
	_ =	strace $0x90000047  }
0xa1: {  	s0 =	sadd.s32 @!p0 $0x100000, s0;
	[bflag:$0x2] =	sbarrier.arrive $0xFFFF  }
0xa2: {  	[sflag:s0] =	ssyncadd.tile.s32 @!p0 $0x1;
	_ =	shalt  }
.Lfunc_end2:
_tile_overlayer_lowered:
.L_overlay_start_2:
0xa3: {  	(tag) =	ssettag $0x2  }
0xa4: {  	s0 =	rddreg [dreg:$0x0];
	s2 =	stileid.u32  }
0xa5: {  	s1 =	rddreg [dreg:$0x1];
	p0 =	sne.s32 s2, $0x0  }
0xa6: {  	s3 =	rddreg [dreg:$0x2];
	[bflag:$0x3] =	sbarrier.arrive $0xFFFF;
	s2 =	simm.s32 @!p0 $0x1C01  }
0xa7: {  	[timem:s3], [sflag:s2] =	dma.local @!p0 [hbm:s0], s1  }
0xa8: {  	s0 =	simm.s32 @!p0 $0x1  }
0xa9: {  	_ =	swait.ge @!p0 [sflag:s0], s1  }
0xaa: {  	s1 =	ssub.s32 @!p0 $0x0, s1;
	[sflag:s0] =	ssyncset.done @!p0 $0x0  }
0xab: {  	[sflag:s0] =	ssyncadd.s32 @!p0 s1  }
0xac: {  	[bflag:$0x3] =	sbarrier.arrive $0xFFFF  }
0xad: {  	_ =	shalt  }

</sc_bundles>
